<compile_context>
chip_gen: v7x
topology: tpu7x:2x2x1
jax: 0.10.2.dev20260603
libtpu: 0.0.44.dev20260713+nightly
codegen_flags: <defaults>
</compile_context>

<pallas_src>
import functools

import jax
import jax.numpy as jnp
from jax import lax
from jax.experimental import pallas as pl
from jax.experimental.pallas import tpu as pltpu
from jax.experimental.pallas import tpu_sc as plsc

NENTITY = 1000000
NRELATION = 1000
HIDDEN = 128
GAMMA = 12.0
BATCH = 4096

NUM_CORES = 2
NUM_SUBCORES = 16
LANES = 16
NUM_WORKERS = NUM_CORES * NUM_SUBCORES
BPW = BATCH // NUM_WORKERS
NBLK = 2
BLK = BPW // NBLK
PITCH = 17

_mesh = plsc.VectorSubcoreMesh(core_axis_name="c", subcore_axis_name="s")


@functools.partial(
    pl.kernel,
    mesh=_mesh,
    compiler_params=pltpu.CompilerParams(needs_layout_passes=False),
    out_type=jax.ShapeDtypeStruct((BATCH,), jnp.float32),
    scratch_types=[
        pltpu.VMEM((BPW,), jnp.int32),
        pltpu.VMEM((BPW,), jnp.int32),
        pltpu.VMEM((BPW,), jnp.int32),
        pltpu.VMEM((BPW, HIDDEN), jnp.float32),
        pltpu.VMEM((BPW, HIDDEN), jnp.float32),
        pltpu.VMEM((BPW, HIDDEN), jnp.float32),
        pltpu.VMEM((BPW * PITCH,), jnp.float32),
        pltpu.VMEM((BPW,), jnp.float32),
        pltpu.SemaphoreType.DMA,
        pltpu.SemaphoreType.DMA,
        pltpu.SemaphoreType.DMA,
        pltpu.SemaphoreType.DMA,
        pltpu.SemaphoreType.DMA,
    ],
)
def _transe_sc(hidx_hbm, ridx_hbm, tidx_hbm, ent_hbm, rel_hbm, out_hbm,
               idx_h, idx_r, idx_t, rows_h, rows_r, rows_t, acc_buf, out_v,
               sem_b0, sem_b1, sem_ih, sem_ir, sem_it):
    wid = lax.axis_index("s") * NUM_CORES + lax.axis_index("c")
    base = wid * BPW

    cih = pltpu.async_copy(hidx_hbm.at[pl.ds(base, BPW)], idx_h, sem_ih)
    cir = pltpu.async_copy(ridx_hbm.at[pl.ds(base, BPW)], idx_r, sem_ir)
    cit = pltpu.async_copy(tidx_hbm.at[pl.ds(base, BPW)], idx_t, sem_it)

    sems = (sem_b0, sem_b1)

    def fire(b):
        s = pl.ds(b * BLK, BLK)
        return (
            pltpu.async_copy(ent_hbm.at[idx_h.at[s]], rows_h.at[s], sems[b]),
            pltpu.async_copy(rel_hbm.at[idx_r.at[s]], rows_r.at[s], sems[b]),
            pltpu.async_copy(ent_hbm.at[idx_t.at[s]], rows_t.at[s], sems[b]),
        )

    def sample_body(i, carry):
        acc = jnp.zeros((LANES,), jnp.float32)
        for j in range(HIDDEN // LANES):
            h = rows_h[i, pl.ds(j * LANES, LANES)]
            r = rows_r[i, pl.ds(j * LANES, LANES)]
            t = rows_t[i, pl.ds(j * LANES, LANES)]
            acc = acc + jnp.abs(h + r - t)
        acc_buf[pl.ds(i * PITCH, LANES)] = acc
        return carry

    s0 = pl.ds(0, BLK)
    cih.wait()
    c0h = pltpu.async_copy(ent_hbm.at[idx_h.at[s0]], rows_h.at[s0], sem_b0)
    cir.wait()
    c0r = pltpu.async_copy(rel_hbm.at[idx_r.at[s0]], rows_r.at[s0], sem_b0)
    cit.wait()
    c0t = pltpu.async_copy(ent_hbm.at[idx_t.at[s0]], rows_t.at[s0], sem_b0)

    pending = (c0h, c0r, c0t)
    for b in range(NBLK):
        for c in pending:
            c.wait()
        if b + 1 < NBLK:
            pending = fire(b + 1)
        lax.fori_loop(b * BLK, (b + 1) * BLK, sample_body, None, unroll=2)

    lane_pitch = lax.iota(jnp.int32, LANES) * PITCH

    def group_body(g, carry):
        tot = jnp.zeros((LANES,), jnp.float32)
        for k in range(LANES):
            tot = tot + plsc.load_gather(
                acc_buf, [lane_pitch + (g * (LANES * PITCH) + k)])
        out_v[pl.ds(pl.multiple_of(g * LANES, LANES), LANES)] = GAMMA - tot
        return carry

    lax.fori_loop(0, BPW // LANES, group_body, None)

    pltpu.sync_copy(out_v, out_hbm.at[pl.ds(base, BPW)])


def kernel(sample, entity_embedding, relation_embedding):
    head_idx = sample[:, 0]
    rel_idx = sample[:, 1]
    tail_idx = sample[:, 2]
    score = _transe_sc(head_idx, rel_idx, tail_idx,
                       entity_embedding, relation_embedding)
    return score.reshape(BATCH, 1)

# --- scband reference (transcript-rebuilt; emitter-appended) ---
"""Pipeline reference for scband-kgemodel-16389595202150 (READ-ONLY COPY).

The authoritative reference and input builder live on the scoring server;
editing this copy changes nothing except your own understanding.
"""

import jax, jax.numpy as jnp
import numpy as np

NENTITY = 1000000
NRELATION = 1000
HIDDEN = 128
GAMMA = 12.0
EPSILON = 2.0
EMBEDDING_RANGE = (GAMMA + EPSILON) / HIDDEN
BATCH = 4096


def setup_inputs(seed: int = 0) -> dict:
    key = jax.random.key(seed)
    k1, k2, k3 = jax.random.split(key, 3)
    # sample: triples (head, relation, tail); fill=randint with fill_max=1000
    sample = jax.random.randint(k1, (BATCH, 3), 0, NRELATION, dtype=jnp.int32)
    # learned parameters, initialized uniform in [-embedding_range, embedding_range]
    entity_embedding = jax.random.uniform(
        k2, (NENTITY, HIDDEN), minval=-EMBEDDING_RANGE, maxval=EMBEDDING_RANGE, dtype=jnp.float32)
    relation_embedding = jax.random.uniform(
        k3, (NRELATION, HIDDEN), minval=-EMBEDDING_RANGE, maxval=EMBEDDING_RANGE, dtype=jnp.float32)
    return {
        "sample": sample,
        "entity_embedding": entity_embedding,
        "relation_embedding": relation_embedding,
    }


def reference(sample, entity_embedding, relation_embedding):
    # mode == 'train' path of KGEModel.forward, model_name == 'TransE'
    head = jnp.take(entity_embedding, sample[:, 0], axis=0)[:, None, :]
    relation = jnp.take(relation_embedding, sample[:, 1], axis=0)[:, None, :]
    tail = jnp.take(entity_embedding, sample[:, 2], axis=0)[:, None, :]
    # TransE score: gamma - ||h + r - t||_1 along dim 2
    score = GAMMA - jnp.sum(jnp.abs(head + relation - tail), axis=2)
    return score  # shape [BATCH, 1]

if __name__ == "__main__":
    import jax
    _d = setup_inputs()
    print(jax.jit(kernel)(*tuple(_d.values())))

</pallas_src>

<mosaic_0001>
#map = affine_map<(d0, d1) -> (0)>
#map1 = affine_map<(d0, d1) -> (0, 0)>
module attributes {stable_mosaic.version = 14 : i64} {
  func.func @_transe_sc(%arg0: i32, %arg1: i32, %arg2: memref<4096xi32, #tpu.memory_space<hbm>>, %arg3: memref<4096xi32, #tpu.memory_space<hbm>>, %arg4: memref<4096xi32, #tpu.memory_space<hbm>>, %arg5: memref<1000000x128xf32, #tpu.memory_space<hbm>>, %arg6: memref<1000x128xf32, #tpu.memory_space<hbm>>, %arg7: memref<4096xf32, #tpu.memory_space<hbm>>, %arg8: memref<128xi32, #tpu.memory_space<vmem>>, %arg9: memref<128xi32, #tpu.memory_space<vmem>>, %arg10: memref<128xi32, #tpu.memory_space<vmem>>, %arg11: memref<128x128xf32, #tpu.memory_space<vmem>>, %arg12: memref<128x128xf32, #tpu.memory_space<vmem>>, %arg13: memref<128x128xf32, #tpu.memory_space<vmem>>, %arg14: memref<2176xf32, #tpu.memory_space<vmem>>, %arg15: memref<128xf32, #tpu.memory_space<vmem>>, %arg16: memref<!tpu.dma_semaphore, #tpu.memory_space<semaphore_mem>>, %arg17: memref<!tpu.dma_semaphore, #tpu.memory_space<semaphore_mem>>, %arg18: memref<!tpu.dma_semaphore, #tpu.memory_space<semaphore_mem>>, %arg19: memref<!tpu.dma_semaphore, #tpu.memory_space<semaphore_mem>>, %arg20: memref<!tpu.dma_semaphore, #tpu.memory_space<semaphore_mem>>) attributes {dimension_semantics = [#tpu.dimension_semantics<core_parallel>, #tpu.dimension_semantics<subcore_parallel>], iteration_bounds = array<i64: 2, 16>, scalar_prefetch = 0 : i64, scratch_operands = 13 : i64, tpu.core_type = #tpu.core_type<sc_vector_subcore>, window_params = [{transform_indices = #map}, {transform_indices = #map}, {transform_indices = #map}, {transform_indices = #map1}, {transform_indices = #map1}, {transform_indices = #map}]} {
    %mul3A = arith.constant 2 : i32
    %mul3A_0 = arith.muli %arg1, %mul3A : i32
    %add3A = arith.addi %mul3A_0, %arg0 : i32
    %mul3A_1 = arith.constant 128 : i32
    %mul3A_2 = arith.muli %add3A, %mul3A_1 : i32
    %dma_start3A = tpu.memref_slice %arg2[%mul3A_2] : memref<4096xi32, #tpu.memory_space<hbm>> -> memref<128xi32, #tpu.memory_space<hbm>>
    %dma_start3A_3 = tpu.memref_slice %arg2[%mul3A_2] : memref<4096xi32, #tpu.memory_space<hbm>> -> memref<128xi32, #tpu.memory_space<hbm>>
    tpu.enqueue_dma source(%dma_start3A_3 : memref<128xi32, #tpu.memory_space<hbm>>) target(%arg8 : memref<128xi32, #tpu.memory_space<vmem>>) target_semaphore(%arg18 : memref<!tpu.dma_semaphore, #tpu.memory_space<semaphore_mem>>)
    %dma_start3A_4 = tpu.memref_slice %arg3[%mul3A_2] : memref<4096xi32, #tpu.memory_space<hbm>> -> memref<128xi32, #tpu.memory_space<hbm>>
    %dma_start3A_5 = tpu.memref_slice %arg3[%mul3A_2] : memref<4096xi32, #tpu.memory_space<hbm>> -> memref<128xi32, #tpu.memory_space<hbm>>
    tpu.enqueue_dma source(%dma_start3A_5 : memref<128xi32, #tpu.memory_space<hbm>>) target(%arg9 : memref<128xi32, #tpu.memory_space<vmem>>) target_semaphore(%arg19 : memref<!tpu.dma_semaphore, #tpu.memory_space<semaphore_mem>>)
    %dma_start3A_6 = tpu.memref_slice %arg4[%mul3A_2] : memref<4096xi32, #tpu.memory_space<hbm>> -> memref<128xi32, #tpu.memory_space<hbm>>
    %dma_start3A_7 = tpu.memref_slice %arg4[%mul3A_2] : memref<4096xi32, #tpu.memory_space<hbm>> -> memref<128xi32, #tpu.memory_space<hbm>>
    tpu.enqueue_dma source(%dma_start3A_7 : memref<128xi32, #tpu.memory_space<hbm>>) target(%arg10 : memref<128xi32, #tpu.memory_space<vmem>>) target_semaphore(%arg20 : memref<!tpu.dma_semaphore, #tpu.memory_space<semaphore_mem>>)
    %dma_wait3A = tpu.memref_slice %arg2[%mul3A_2] : memref<4096xi32, #tpu.memory_space<hbm>> -> memref<128xi32, #tpu.memory_space<hbm>>
    %dma_wait3A_8 = tpu.memref_slice %arg2[%mul3A_2] : memref<4096xi32, #tpu.memory_space<hbm>> -> memref<128xi32, #tpu.memory_space<hbm>>
    tpu.wait_dma2 semaphore(%arg18 : memref<!tpu.dma_semaphore, #tpu.memory_space<semaphore_mem>>) src(%dma_wait3A_8 : memref<128xi32, #tpu.memory_space<hbm>>) dst(%arg8 : memref<128xi32, #tpu.memory_space<vmem>>)
    %dma_start3A_9 = arith.constant 0 : i32
    %dma_start3A_10 = arith.constant 0 : i32
    %dma_start3A_11 = tpu.memref_slice %arg11[%dma_start3A_9, %dma_start3A_10] : memref<128x128xf32, #tpu.memory_space<vmem>> -> memref<64x128xf32, #tpu.memory_space<vmem>>
    %dma_start3A_12 = arith.constant 0 : i32
    %dma_start3A_13 = tpu.memref_slice %arg8[%dma_start3A_12] : memref<128xi32, #tpu.memory_space<vmem>> -> memref<64xi32, #tpu.memory_space<vmem>>
    %dma_start3A_14 = arith.constant 0 : i32
    %dma_start3A_15 = arith.constant 0 : i32
    %dma_start3A_16 = tpu.memref_slice %arg5[%dma_start3A_14, %dma_start3A_15] : memref<1000000x128xf32, #tpu.memory_space<hbm>> -> memref<1000000x128xf32, #tpu.memory_space<hbm>>
    tpu.enqueue_indirect_dma source(%dma_start3A_16 : memref<1000000x128xf32, #tpu.memory_space<hbm>>) target(%dma_start3A_11 : memref<64x128xf32, #tpu.memory_space<vmem>>) offsets(%dma_start3A_13 : memref<64xi32, #tpu.memory_space<vmem>>) semaphore(%arg16 : memref<!tpu.dma_semaphore, #tpu.memory_space<semaphore_mem>>)
    %dma_wait3A_17 = tpu.memref_slice %arg3[%mul3A_2] : memref<4096xi32, #tpu.memory_space<hbm>> -> memref<128xi32, #tpu.memory_space<hbm>>
    %dma_wait3A_18 = tpu.memref_slice %arg3[%mul3A_2] : memref<4096xi32, #tpu.memory_space<hbm>> -> memref<128xi32, #tpu.memory_space<hbm>>
    tpu.wait_dma2 semaphore(%arg19 : memref<!tpu.dma_semaphore, #tpu.memory_space<semaphore_mem>>) src(%dma_wait3A_18 : memref<128xi32, #tpu.memory_space<hbm>>) dst(%arg9 : memref<128xi32, #tpu.memory_space<vmem>>)
    %dma_start3A_19 = arith.constant 0 : i32
    %dma_start3A_20 = arith.constant 0 : i32
    %dma_start3A_21 = tpu.memref_slice %arg12[%dma_start3A_19, %dma_start3A_20] : memref<128x128xf32, #tpu.memory_space<vmem>> -> memref<64x128xf32, #tpu.memory_space<vmem>>
    %dma_start3A_22 = arith.constant 0 : i32
    %dma_start3A_23 = tpu.memref_slice %arg9[%dma_start3A_22] : memref<128xi32, #tpu.memory_space<vmem>> -> memref<64xi32, #tpu.memory_space<vmem>>
    %dma_start3A_24 = arith.constant 0 : i32
    %dma_start3A_25 = arith.constant 0 : i32
    %dma_start3A_26 = tpu.memref_slice %arg6[%dma_start3A_24, %dma_start3A_25] : memref<1000x128xf32, #tpu.memory_space<hbm>> -> memref<1000x128xf32, #tpu.memory_space<hbm>>
    tpu.enqueue_indirect_dma source(%dma_start3A_26 : memref<1000x128xf32, #tpu.memory_space<hbm>>) target(%dma_start3A_21 : memref<64x128xf32, #tpu.memory_space<vmem>>) offsets(%dma_start3A_23 : memref<64xi32, #tpu.memory_space<vmem>>) semaphore(%arg16 : memref<!tpu.dma_semaphore, #tpu.memory_space<semaphore_mem>>)
    %dma_wait3A_27 = tpu.memref_slice %arg4[%mul3A_2] : memref<4096xi32, #tpu.memory_space<hbm>> -> memref<128xi32, #tpu.memory_space<hbm>>
    %dma_wait3A_28 = tpu.memref_slice %arg4[%mul3A_2] : memref<4096xi32, #tpu.memory_space<hbm>> -> memref<128xi32, #tpu.memory_space<hbm>>
    tpu.wait_dma2 semaphore(%arg20 : memref<!tpu.dma_semaphore, #tpu.memory_space<semaphore_mem>>) src(%dma_wait3A_28 : memref<128xi32, #tpu.memory_space<hbm>>) dst(%arg10 : memref<128xi32, #tpu.memory_space<vmem>>)
    %dma_start3A_29 = arith.constant 0 : i32
    %dma_start3A_30 = arith.constant 0 : i32
    %dma_start3A_31 = tpu.memref_slice %arg13[%dma_start3A_29, %dma_start3A_30] : memref<128x128xf32, #tpu.memory_space<vmem>> -> memref<64x128xf32, #tpu.memory_space<vmem>>
    %dma_start3A_32 = arith.constant 0 : i32
    %dma_start3A_33 = tpu.memref_slice %arg10[%dma_start3A_32] : memref<128xi32, #tpu.memory_space<vmem>> -> memref<64xi32, #tpu.memory_space<vmem>>
    %dma_start3A_34 = arith.constant 0 : i32
    %dma_start3A_35 = arith.constant 0 : i32
    %dma_start3A_36 = tpu.memref_slice %arg5[%dma_start3A_34, %dma_start3A_35] : memref<1000000x128xf32, #tpu.memory_space<hbm>> -> memref<1000000x128xf32, #tpu.memory_space<hbm>>
    tpu.enqueue_indirect_dma source(%dma_start3A_36 : memref<1000000x128xf32, #tpu.memory_space<hbm>>) target(%dma_start3A_31 : memref<64x128xf32, #tpu.memory_space<vmem>>) offsets(%dma_start3A_33 : memref<64xi32, #tpu.memory_space<vmem>>) semaphore(%arg16 : memref<!tpu.dma_semaphore, #tpu.memory_space<semaphore_mem>>)
    %dma_wait3A_37 = arith.constant 0 : i32
    %dma_wait3A_38 = arith.constant 0 : i32
    %dma_wait3A_39 = tpu.memref_slice %arg11[%dma_wait3A_37, %dma_wait3A_38] : memref<128x128xf32, #tpu.memory_space<vmem>> -> memref<64x128xf32, #tpu.memory_space<vmem>>
    %dma_wait3A_40 = arith.constant 0 : i32
    %dma_wait3A_41 = tpu.memref_slice %arg8[%dma_wait3A_40] : memref<128xi32, #tpu.memory_space<vmem>> -> memref<64xi32, #tpu.memory_space<vmem>>
    %dma_wait3A_42 = arith.constant 0 : i32
    %dma_wait3A_43 = arith.constant 0 : i32
    %dma_wait3A_44 = tpu.memref_slice %arg5[%dma_wait3A_42, %dma_wait3A_43] : memref<1000000x128xf32, #tpu.memory_space<hbm>> -> memref<1000000x128xf32, #tpu.memory_space<hbm>>
    tpu.wait_indirect_dma semaphore(%arg16 : memref<!tpu.dma_semaphore, #tpu.memory_space<semaphore_mem>>) src(%dma_wait3A_44 : memref<1000000x128xf32, #tpu.memory_space<hbm>>) dst(%dma_wait3A_39 : memref<64x128xf32, #tpu.memory_space<vmem>>)
    %dma_wait3A_45 = arith.constant 0 : i32
    %dma_wait3A_46 = arith.constant 0 : i32
    %dma_wait3A_47 = tpu.memref_slice %arg12[%dma_wait3A_45, %dma_wait3A_46] : memref<128x128xf32, #tpu.memory_space<vmem>> -> memref<64x128xf32, #tpu.memory_space<vmem>>
    %dma_wait3A_48 = arith.constant 0 : i32
    %dma_wait3A_49 = tpu.memref_slice %arg9[%dma_wait3A_48] : memref<128xi32, #tpu.memory_space<vmem>> -> memref<64xi32, #tpu.memory_space<vmem>>
    %dma_wait3A_50 = arith.constant 0 : i32
    %dma_wait3A_51 = arith.constant 0 : i32
    %dma_wait3A_52 = tpu.memref_slice %arg6[%dma_wait3A_50, %dma_wait3A_51] : memref<1000x128xf32, #tpu.memory_space<hbm>> -> memref<1000x128xf32, #tpu.memory_space<hbm>>
    tpu.wait_indirect_dma semaphore(%arg16 : memref<!tpu.dma_semaphore, #tpu.memory_space<semaphore_mem>>) src(%dma_wait3A_52 : memref<1000x128xf32, #tpu.memory_space<hbm>>) dst(%dma_wait3A_47 : memref<64x128xf32, #tpu.memory_space<vmem>>)
    %dma_wait3A_53 = arith.constant 0 : i32
    %dma_wait3A_54 = arith.constant 0 : i32
    %dma_wait3A_55 = tpu.memref_slice %arg13[%dma_wait3A_53, %dma_wait3A_54] : memref<128x128xf32, #tpu.memory_space<vmem>> -> memref<64x128xf32, #tpu.memory_space<vmem>>
    %dma_wait3A_56 = arith.constant 0 : i32
    %dma_wait3A_57 = tpu.memref_slice %arg10[%dma_wait3A_56] : memref<128xi32, #tpu.memory_space<vmem>> -> memref<64xi32, #tpu.memory_space<vmem>>
    %dma_wait3A_58 = arith.constant 0 : i32
    %dma_wait3A_59 = arith.constant 0 : i32
    %dma_wait3A_60 = tpu.memref_slice %arg5[%dma_wait3A_58, %dma_wait3A_59] : memref<1000000x128xf32, #tpu.memory_space<hbm>> -> memref<1000000x128xf32, #tpu.memory_space<hbm>>
    tpu.wait_indirect_dma semaphore(%arg16 : memref<!tpu.dma_semaphore, #tpu.memory_space<semaphore_mem>>) src(%dma_wait3A_60 : memref<1000000x128xf32, #tpu.memory_space<hbm>>) dst(%dma_wait3A_55 : memref<64x128xf32, #tpu.memory_space<vmem>>)
    %dma_start3A_61 = arith.constant 64 : i32
    %dma_start3A_62 = arith.constant 0 : i32
    %dma_start3A_63 = tpu.memref_slice %arg11[%dma_start3A_61, %dma_start3A_62] : memref<128x128xf32, #tpu.memory_space<vmem>> -> memref<64x128xf32, #tpu.memory_space<vmem>>
    %dma_start3A_64 = arith.constant 64 : i32
    %dma_start3A_65 = tpu.memref_slice %arg8[%dma_start3A_64] : memref<128xi32, #tpu.memory_space<vmem>> -> memref<64xi32, #tpu.memory_space<vmem>>
    %dma_start3A_66 = arith.constant 0 : i32
    %dma_start3A_67 = arith.constant 0 : i32
    %dma_start3A_68 = tpu.memref_slice %arg5[%dma_start3A_66, %dma_start3A_67] : memref<1000000x128xf32, #tpu.memory_space<hbm>> -> memref<1000000x128xf32, #tpu.memory_space<hbm>>
    tpu.enqueue_indirect_dma source(%dma_start3A_68 : memref<1000000x128xf32, #tpu.memory_space<hbm>>) target(%dma_start3A_63 : memref<64x128xf32, #tpu.memory_space<vmem>>) offsets(%dma_start3A_65 : memref<64xi32, #tpu.memory_space<vmem>>) semaphore(%arg17 : memref<!tpu.dma_semaphore, #tpu.memory_space<semaphore_mem>>)
    %dma_start3A_69 = arith.constant 64 : i32
    %dma_start3A_70 = arith.constant 0 : i32
    %dma_start3A_71 = tpu.memref_slice %arg12[%dma_start3A_69, %dma_start3A_70] : memref<128x128xf32, #tpu.memory_space<vmem>> -> memref<64x128xf32, #tpu.memory_space<vmem>>
    %dma_start3A_72 = arith.constant 64 : i32
    %dma_start3A_73 = tpu.memref_slice %arg9[%dma_start3A_72] : memref<128xi32, #tpu.memory_space<vmem>> -> memref<64xi32, #tpu.memory_space<vmem>>
    %dma_start3A_74 = arith.constant 0 : i32
    %dma_start3A_75 = arith.constant 0 : i32
    %dma_start3A_76 = tpu.memref_slice %arg6[%dma_start3A_74, %dma_start3A_75] : memref<1000x128xf32, #tpu.memory_space<hbm>> -> memref<1000x128xf32, #tpu.memory_space<hbm>>
    tpu.enqueue_indirect_dma source(%dma_start3A_76 : memref<1000x128xf32, #tpu.memory_space<hbm>>) target(%dma_start3A_71 : memref<64x128xf32, #tpu.memory_space<vmem>>) offsets(%dma_start3A_73 : memref<64xi32, #tpu.memory_space<vmem>>) semaphore(%arg17 : memref<!tpu.dma_semaphore, #tpu.memory_space<semaphore_mem>>)
    %dma_start3A_77 = arith.constant 64 : i32
    %dma_start3A_78 = arith.constant 0 : i32
    %dma_start3A_79 = tpu.memref_slice %arg13[%dma_start3A_77, %dma_start3A_78] : memref<128x128xf32, #tpu.memory_space<vmem>> -> memref<64x128xf32, #tpu.memory_space<vmem>>
    %dma_start3A_80 = arith.constant 64 : i32
    %dma_start3A_81 = tpu.memref_slice %arg10[%dma_start3A_80] : memref<128xi32, #tpu.memory_space<vmem>> -> memref<64xi32, #tpu.memory_space<vmem>>
    %dma_start3A_82 = arith.constant 0 : i32
    %dma_start3A_83 = arith.constant 0 : i32
    %dma_start3A_84 = tpu.memref_slice %arg5[%dma_start3A_82, %dma_start3A_83] : memref<1000000x128xf32, #tpu.memory_space<hbm>> -> memref<1000000x128xf32, #tpu.memory_space<hbm>>
    tpu.enqueue_indirect_dma source(%dma_start3A_84 : memref<1000000x128xf32, #tpu.memory_space<hbm>>) target(%dma_start3A_79 : memref<64x128xf32, #tpu.memory_space<vmem>>) offsets(%dma_start3A_81 : memref<64xi32, #tpu.memory_space<vmem>>) semaphore(%arg17 : memref<!tpu.dma_semaphore, #tpu.memory_space<semaphore_mem>>)
    %scan3A = arith.constant 0 : i32
    %scan3A_85 = arith.constant 64 : i32
    %scan3A_86 = arith.addi %scan3A, %scan3A_85 : i32
    %scan3A_87 = arith.constant 2 : i32
    scf.for %scan3A_126 = %scan3A to %scan3A_86 step %scan3A_87  : i32 {
      %broadcast_in_dim3A = arith.constant 0.000000e+00 : f32
      %broadcast_in_dim3A_127 = vector.broadcast %broadcast_in_dim3A : f32 to vector<16xf32>
      %get3A = arith.index_cast %scan3A_126 : i32 to index
      %get3A_128 = arith.constant 0 : index
      %get3A_129 = tpu.vector_load %arg11[%get3A, %get3A_128] {strides = array<i32>} : memref<128x128xf32, #tpu.memory_space<vmem>>, vector<16xf32>,
      %get3A_130 = arith.index_cast %scan3A_126 : i32 to index
      %get3A_131 = arith.constant 0 : index
      %get3A_132 = tpu.vector_load %arg12[%get3A_130, %get3A_131] {strides = array<i32>} : memref<128x128xf32, #tpu.memory_space<vmem>>, vector<16xf32>,
      %get3A_133 = arith.index_cast %scan3A_126 : i32 to index
      %get3A_134 = arith.constant 0 : index
      %get3A_135 = tpu.vector_load %arg13[%get3A_133, %get3A_134] {strides = array<i32>} : memref<128x128xf32, #tpu.memory_space<vmem>>, vector<16xf32>,
      %add3A_136 = arith.addf %get3A_129, %get3A_132 : vector<16xf32>
      %sub3A = arith.subf %add3A_136, %get3A_135 : vector<16xf32>
      %abs3A = math.absf %sub3A : vector<16xf32>
      %add3A_137 = arith.addf %broadcast_in_dim3A_127, %abs3A : vector<16xf32>
      %get3A_138 = arith.index_cast %scan3A_126 : i32 to index
      %get3A_139 = arith.constant 16 : index
      %get3A_140 = tpu.vector_load %arg11[%get3A_138, %get3A_139] {strides = array<i32>} : memref<128x128xf32, #tpu.memory_space<vmem>>, vector<16xf32>,
      %get3A_141 = arith.index_cast %scan3A_126 : i32 to index
      %get3A_142 = arith.constant 16 : index
      %get3A_143 = tpu.vector_load %arg12[%get3A_141, %get3A_142] {strides = array<i32>} : memref<128x128xf32, #tpu.memory_space<vmem>>, vector<16xf32>,
      %get3A_144 = arith.index_cast %scan3A_126 : i32 to index
      %get3A_145 = arith.constant 16 : index
      %get3A_146 = tpu.vector_load %arg13[%get3A_144, %get3A_145] {strides = array<i32>} : memref<128x128xf32, #tpu.memory_space<vmem>>, vector<16xf32>,
      %add3A_147 = arith.addf %get3A_140, %get3A_143 : vector<16xf32>
      %sub3A_148 = arith.subf %add3A_147, %get3A_146 : vector<16xf32>
      %abs3A_149 = math.absf %sub3A_148 : vector<16xf32>
      %add3A_150 = arith.addf %add3A_137, %abs3A_149 : vector<16xf32>
      %get3A_151 = arith.index_cast %scan3A_126 : i32 to index
      %get3A_152 = arith.constant 32 : index
      %get3A_153 = tpu.vector_load %arg11[%get3A_151, %get3A_152] {strides = array<i32>} : memref<128x128xf32, #tpu.memory_space<vmem>>, vector<16xf32>,
      %get3A_154 = arith.index_cast %scan3A_126 : i32 to index
      %get3A_155 = arith.constant 32 : index
      %get3A_156 = tpu.vector_load %arg12[%get3A_154, %get3A_155] {strides = array<i32>} : memref<128x128xf32, #tpu.memory_space<vmem>>, vector<16xf32>,
      %get3A_157 = arith.index_cast %scan3A_126 : i32 to index
      %get3A_158 = arith.constant 32 : index
      %get3A_159 = tpu.vector_load %arg13[%get3A_157, %get3A_158] {strides = array<i32>} : memref<128x128xf32, #tpu.memory_space<vmem>>, vector<16xf32>,
      %add3A_160 = arith.addf %get3A_153, %get3A_156 : vector<16xf32>
      %sub3A_161 = arith.subf %add3A_160, %get3A_159 : vector<16xf32>
      %abs3A_162 = math.absf %sub3A_161 : vector<16xf32>
      %add3A_163 = arith.addf %add3A_150, %abs3A_162 : vector<16xf32>
      %get3A_164 = arith.index_cast %scan3A_126 : i32 to index
      %get3A_165 = arith.constant 48 : index
      %get3A_166 = tpu.vector_load %arg11[%get3A_164, %get3A_165] {strides = array<i32>} : memref<128x128xf32, #tpu.memory_space<vmem>>, vector<16xf32>,
      %get3A_167 = arith.index_cast %scan3A_126 : i32 to index
      %get3A_168 = arith.constant 48 : index
      %get3A_169 = tpu.vector_load %arg12[%get3A_167, %get3A_168] {strides = array<i32>} : memref<128x128xf32, #tpu.memory_space<vmem>>, vector<16xf32>,
      %get3A_170 = arith.index_cast %scan3A_126 : i32 to index
      %get3A_171 = arith.constant 48 : index
      %get3A_172 = tpu.vector_load %arg13[%get3A_170, %get3A_171] {strides = array<i32>} : memref<128x128xf32, #tpu.memory_space<vmem>>, vector<16xf32>,
      %add3A_173 = arith.addf %get3A_166, %get3A_169 : vector<16xf32>
      %sub3A_174 = arith.subf %add3A_173, %get3A_172 : vector<16xf32>
      %abs3A_175 = math.absf %sub3A_174 : vector<16xf32>
      %add3A_176 = arith.addf %add3A_163, %abs3A_175 : vector<16xf32>
      %get3A_177 = arith.index_cast %scan3A_126 : i32 to index
      %get3A_178 = arith.constant 64 : index
      %get3A_179 = tpu.vector_load %arg11[%get3A_177, %get3A_178] {strides = array<i32>} : memref<128x128xf32, #tpu.memory_space<vmem>>, vector<16xf32>,
      %get3A_180 = arith.index_cast %scan3A_126 : i32 to index
      %get3A_181 = arith.constant 64 : index
      %get3A_182 = tpu.vector_load %arg12[%get3A_180, %get3A_181] {strides = array<i32>} : memref<128x128xf32, #tpu.memory_space<vmem>>, vector<16xf32>,
      %get3A_183 = arith.index_cast %scan3A_126 : i32 to index
      %get3A_184 = arith.constant 64 : index
      %get3A_185 = tpu.vector_load %arg13[%get3A_183, %get3A_184] {strides = array<i32>} : memref<128x128xf32, #tpu.memory_space<vmem>>, vector<16xf32>,
      %add3A_186 = arith.addf %get3A_179, %get3A_182 : vector<16xf32>
      %sub3A_187 = arith.subf %add3A_186, %get3A_185 : vector<16xf32>
      %abs3A_188 = math.absf %sub3A_187 : vector<16xf32>
      %add3A_189 = arith.addf %add3A_176, %abs3A_188 : vector<16xf32>
      %get3A_190 = arith.index_cast %scan3A_126 : i32 to index
      %get3A_191 = arith.constant 80 : index
      %get3A_192 = tpu.vector_load %arg11[%get3A_190, %get3A_191] {strides = array<i32>} : memref<128x128xf32, #tpu.memory_space<vmem>>, vector<16xf32>,
      %get3A_193 = arith.index_cast %scan3A_126 : i32 to index
      %get3A_194 = arith.constant 80 : index
      %get3A_195 = tpu.vector_load %arg12[%get3A_193, %get3A_194] {strides = array<i32>} : memref<128x128xf32, #tpu.memory_space<vmem>>, vector<16xf32>,
      %get3A_196 = arith.index_cast %scan3A_126 : i32 to index
      %get3A_197 = arith.constant 80 : index
      %get3A_198 = tpu.vector_load %arg13[%get3A_196, %get3A_197] {strides = array<i32>} : memref<128x128xf32, #tpu.memory_space<vmem>>, vector<16xf32>,
      %add3A_199 = arith.addf %get3A_192, %get3A_195 : vector<16xf32>
      %sub3A_200 = arith.subf %add3A_199, %get3A_198 : vector<16xf32>
      %abs3A_201 = math.absf %sub3A_200 : vector<16xf32>
      %add3A_202 = arith.addf %add3A_189, %abs3A_201 : vector<16xf32>
      %get3A_203 = arith.index_cast %scan3A_126 : i32 to index
      %get3A_204 = arith.constant 96 : index
      %get3A_205 = tpu.vector_load %arg11[%get3A_203, %get3A_204] {strides = array<i32>} : memref<128x128xf32, #tpu.memory_space<vmem>>, vector<16xf32>,
      %get3A_206 = arith.index_cast %scan3A_126 : i32 to index
      %get3A_207 = arith.constant 96 : index
      %get3A_208 = tpu.vector_load %arg12[%get3A_206, %get3A_207] {strides = array<i32>} : memref<128x128xf32, #tpu.memory_space<vmem>>, vector<16xf32>,
      %get3A_209 = arith.index_cast %scan3A_126 : i32 to index
      %get3A_210 = arith.constant 96 : index
      %get3A_211 = tpu.vector_load %arg13[%get3A_209, %get3A_210] {strides = array<i32>} : memref<128x128xf32, #tpu.memory_space<vmem>>, vector<16xf32>,
      %add3A_212 = arith.addf %get3A_205, %get3A_208 : vector<16xf32>
      %sub3A_213 = arith.subf %add3A_212, %get3A_211 : vector<16xf32>
      %abs3A_214 = math.absf %sub3A_213 : vector<16xf32>
      %add3A_215 = arith.addf %add3A_202, %abs3A_214 : vector<16xf32>
      %get3A_216 = arith.index_cast %scan3A_126 : i32 to index
      %get3A_217 = arith.constant 112 : index
      %get3A_218 = tpu.vector_load %arg11[%get3A_216, %get3A_217] {strides = array<i32>} : memref<128x128xf32, #tpu.memory_space<vmem>>, vector<16xf32>,
      %get3A_219 = arith.index_cast %scan3A_126 : i32 to index
      %get3A_220 = arith.constant 112 : index
      %get3A_221 = tpu.vector_load %arg12[%get3A_219, %get3A_220] {strides = array<i32>} : memref<128x128xf32, #tpu.memory_space<vmem>>, vector<16xf32>,
      %get3A_222 = arith.index_cast %scan3A_126 : i32 to index
      %get3A_223 = arith.constant 112 : index
      %get3A_224 = tpu.vector_load %arg13[%get3A_222, %get3A_223] {strides = array<i32>} : memref<128x128xf32, #tpu.memory_space<vmem>>, vector<16xf32>,
      %add3A_225 = arith.addf %get3A_218, %get3A_221 : vector<16xf32>
      %sub3A_226 = arith.subf %add3A_225, %get3A_224 : vector<16xf32>
      %abs3A_227 = math.absf %sub3A_226 : vector<16xf32>
      %add3A_228 = arith.addf %add3A_215, %abs3A_227 : vector<16xf32>
      %mul3A_229 = arith.constant 17 : i32
      %mul3A_230 = arith.muli %scan3A_126, %mul3A_229 : i32
      %swap3A = arith.index_cast %mul3A_230 : i32 to index
      %swap3A_231 = tpu.vector_load %arg14[%swap3A] {strides = array<i32>} : memref<2176xf32, #tpu.memory_space<vmem>>, vector<16xf32>,
      tpu.vector_store %arg14[%swap3A], %add3A_228 {strides = array<i32>} : memref<2176xf32, #tpu.memory_space<vmem>>, vector<16xf32>,
      %scan3A_232 = arith.constant 1 : i32
      %scan3A_233 = arith.addi %scan3A_126, %scan3A_232 : i32
      %broadcast_in_dim3A_234 = arith.constant 0.000000e+00 : f32
      %broadcast_in_dim3A_235 = vector.broadcast %broadcast_in_dim3A_234 : f32 to vector<16xf32>
      %get3A_236 = arith.index_cast %scan3A_233 : i32 to index
      %get3A_237 = arith.constant 0 : index
      %get3A_238 = tpu.vector_load %arg11[%get3A_236, %get3A_237] {strides = array<i32>} : memref<128x128xf32, #tpu.memory_space<vmem>>, vector<16xf32>,
      %get3A_239 = arith.index_cast %scan3A_233 : i32 to index
      %get3A_240 = arith.constant 0 : index
      %get3A_241 = tpu.vector_load %arg12[%get3A_239, %get3A_240] {strides = array<i32>} : memref<128x128xf32, #tpu.memory_space<vmem>>, vector<16xf32>,
      %get3A_242 = arith.index_cast %scan3A_233 : i32 to index
      %get3A_243 = arith.constant 0 : index
      %get3A_244 = tpu.vector_load %arg13[%get3A_242, %get3A_243] {strides = array<i32>} : memref<128x128xf32, #tpu.memory_space<vmem>>, vector<16xf32>,
      %add3A_245 = arith.addf %get3A_238, %get3A_241 : vector<16xf32>
      %sub3A_246 = arith.subf %add3A_245, %get3A_244 : vector<16xf32>
      %abs3A_247 = math.absf %sub3A_246 : vector<16xf32>
      %add3A_248 = arith.addf %broadcast_in_dim3A_235, %abs3A_247 : vector<16xf32>
      %get3A_249 = arith.index_cast %scan3A_233 : i32 to index
      %get3A_250 = arith.constant 16 : index
      %get3A_251 = tpu.vector_load %arg11[%get3A_249, %get3A_250] {strides = array<i32>} : memref<128x128xf32, #tpu.memory_space<vmem>>, vector<16xf32>,
      %get3A_252 = arith.index_cast %scan3A_233 : i32 to index
      %get3A_253 = arith.constant 16 : index
      %get3A_254 = tpu.vector_load %arg12[%get3A_252, %get3A_253] {strides = array<i32>} : memref<128x128xf32, #tpu.memory_space<vmem>>, vector<16xf32>,
      %get3A_255 = arith.index_cast %scan3A_233 : i32 to index
      %get3A_256 = arith.constant 16 : index
      %get3A_257 = tpu.vector_load %arg13[%get3A_255, %get3A_256] {strides = array<i32>} : memref<128x128xf32, #tpu.memory_space<vmem>>, vector<16xf32>,
      %add3A_258 = arith.addf %get3A_251, %get3A_254 : vector<16xf32>
      %sub3A_259 = arith.subf %add3A_258, %get3A_257 : vector<16xf32>
      %abs3A_260 = math.absf %sub3A_259 : vector<16xf32>
      %add3A_261 = arith.addf %add3A_248, %abs3A_260 : vector<16xf32>
      %get3A_262 = arith.index_cast %scan3A_233 : i32 to index
      %get3A_263 = arith.constant 32 : index
      %get3A_264 = tpu.vector_load %arg11[%get3A_262, %get3A_263] {strides = array<i32>} : memref<128x128xf32, #tpu.memory_space<vmem>>, vector<16xf32>,
      %get3A_265 = arith.index_cast %scan3A_233 : i32 to index
      %get3A_266 = arith.constant 32 : index
      %get3A_267 = tpu.vector_load %arg12[%get3A_265, %get3A_266] {strides = array<i32>} : memref<128x128xf32, #tpu.memory_space<vmem>>, vector<16xf32>,
      %get3A_268 = arith.index_cast %scan3A_233 : i32 to index
      %get3A_269 = arith.constant 32 : index
      %get3A_270 = tpu.vector_load %arg13[%get3A_268, %get3A_269] {strides = array<i32>} : memref<128x128xf32, #tpu.memory_space<vmem>>, vector<16xf32>,
      %add3A_271 = arith.addf %get3A_264, %get3A_267 : vector<16xf32>
      %sub3A_272 = arith.subf %add3A_271, %get3A_270 : vector<16xf32>
      %abs3A_273 = math.absf %sub3A_272 : vector<16xf32>
      %add3A_274 = arith.addf %add3A_261, %abs3A_273 : vector<16xf32>
      %get3A_275 = arith.index_cast %scan3A_233 : i32 to index
      %get3A_276 = arith.constant 48 : index
      %get3A_277 = tpu.vector_load %arg11[%get3A_275, %get3A_276] {strides = array<i32>} : memref<128x128xf32, #tpu.memory_space<vmem>>, vector<16xf32>,
      %get3A_278 = arith.index_cast %scan3A_233 : i32 to index
      %get3A_279 = arith.constant 48 : index
      %get3A_280 = tpu.vector_load %arg12[%get3A_278, %get3A_279] {strides = array<i32>} : memref<128x128xf32, #tpu.memory_space<vmem>>, vector<16xf32>,
      %get3A_281 = arith.index_cast %scan3A_233 : i32 to index
      %get3A_282 = arith.constant 48 : index
      %get3A_283 = tpu.vector_load %arg13[%get3A_281, %get3A_282] {strides = array<i32>} : memref<128x128xf32, #tpu.memory_space<vmem>>, vector<16xf32>,
      %add3A_284 = arith.addf %get3A_277, %get3A_280 : vector<16xf32>
      %sub3A_285 = arith.subf %add3A_284, %get3A_283 : vector<16xf32>
      %abs3A_286 = math.absf %sub3A_285 : vector<16xf32>
      %add3A_287 = arith.addf %add3A_274, %abs3A_286 : vector<16xf32>
      %get3A_288 = arith.index_cast %scan3A_233 : i32 to index
      %get3A_289 = arith.constant 64 : index
      %get3A_290 = tpu.vector_load %arg11[%get3A_288, %get3A_289] {strides = array<i32>} : memref<128x128xf32, #tpu.memory_space<vmem>>, vector<16xf32>,
      %get3A_291 = arith.index_cast %scan3A_233 : i32 to index
      %get3A_292 = arith.constant 64 : index
      %get3A_293 = tpu.vector_load %arg12[%get3A_291, %get3A_292] {strides = array<i32>} : memref<128x128xf32, #tpu.memory_space<vmem>>, vector<16xf32>,
      %get3A_294 = arith.index_cast %scan3A_233 : i32 to index
      %get3A_295 = arith.constant 64 : index
      %get3A_296 = tpu.vector_load %arg13[%get3A_294, %get3A_295] {strides = array<i32>} : memref<128x128xf32, #tpu.memory_space<vmem>>, vector<16xf32>,
      %add3A_297 = arith.addf %get3A_290, %get3A_293 : vector<16xf32>
      %sub3A_298 = arith.subf %add3A_297, %get3A_296 : vector<16xf32>
      %abs3A_299 = math.absf %sub3A_298 : vector<16xf32>
      %add3A_300 = arith.addf %add3A_287, %abs3A_299 : vector<16xf32>
      %get3A_301 = arith.index_cast %scan3A_233 : i32 to index
      %get3A_302 = arith.constant 80 : index
      %get3A_303 = tpu.vector_load %arg11[%get3A_301, %get3A_302] {strides = array<i32>} : memref<128x128xf32, #tpu.memory_space<vmem>>, vector<16xf32>,
      %get3A_304 = arith.index_cast %scan3A_233 : i32 to index
      %get3A_305 = arith.constant 80 : index
      %get3A_306 = tpu.vector_load %arg12[%get3A_304, %get3A_305] {strides = array<i32>} : memref<128x128xf32, #tpu.memory_space<vmem>>, vector<16xf32>,
      %get3A_307 = arith.index_cast %scan3A_233 : i32 to index
      %get3A_308 = arith.constant 80 : index
      %get3A_309 = tpu.vector_load %arg13[%get3A_307, %get3A_308] {strides = array<i32>} : memref<128x128xf32, #tpu.memory_space<vmem>>, vector<16xf32>,
      %add3A_310 = arith.addf %get3A_303, %get3A_306 : vector<16xf32>
      %sub3A_311 = arith.subf %add3A_310, %get3A_309 : vector<16xf32>
      %abs3A_312 = math.absf %sub3A_311 : vector<16xf32>
      %add3A_313 = arith.addf %add3A_300, %abs3A_312 : vector<16xf32>
      %get3A_314 = arith.index_cast %scan3A_233 : i32 to index
      %get3A_315 = arith.constant 96 : index
      %get3A_316 = tpu.vector_load %arg11[%get3A_314, %get3A_315] {strides = array<i32>} : memref<128x128xf32, #tpu.memory_space<vmem>>, vector<16xf32>,
      %get3A_317 = arith.index_cast %scan3A_233 : i32 to index
      %get3A_318 = arith.constant 96 : index
      %get3A_319 = tpu.vector_load %arg12[%get3A_317, %get3A_318] {strides = array<i32>} : memref<128x128xf32, #tpu.memory_space<vmem>>, vector<16xf32>,
      %get3A_320 = arith.index_cast %scan3A_233 : i32 to index
      %get3A_321 = arith.constant 96 : index
      %get3A_322 = tpu.vector_load %arg13[%get3A_320, %get3A_321] {strides = array<i32>} : memref<128x128xf32, #tpu.memory_space<vmem>>, vector<16xf32>,
      %add3A_323 = arith.addf %get3A_316, %get3A_319 : vector<16xf32>
      %sub3A_324 = arith.subf %add3A_323, %get3A_322 : vector<16xf32>
      %abs3A_325 = math.absf %sub3A_324 : vector<16xf32>
      %add3A_326 = arith.addf %add3A_313, %abs3A_325 : vector<16xf32>
      %get3A_327 = arith.index_cast %scan3A_233 : i32 to index
      %get3A_328 = arith.constant 112 : index
      %get3A_329 = tpu.vector_load %arg11[%get3A_327, %get3A_328] {strides = array<i32>} : memref<128x128xf32, #tpu.memory_space<vmem>>, vector<16xf32>,
      %get3A_330 = arith.index_cast %scan3A_233 : i32 to index
      %get3A_331 = arith.constant 112 : index
      %get3A_332 = tpu.vector_load %arg12[%get3A_330, %get3A_331] {strides = array<i32>} : memref<128x128xf32, #tpu.memory_space<vmem>>, vector<16xf32>,
      %get3A_333 = arith.index_cast %scan3A_233 : i32 to index
      %get3A_334 = arith.constant 112 : index
      %get3A_335 = tpu.vector_load %arg13[%get3A_333, %get3A_334] {strides = array<i32>} : memref<128x128xf32, #tpu.memory_space<vmem>>, vector<16xf32>,
      %add3A_336 = arith.addf %get3A_329, %get3A_332 : vector<16xf32>
      %sub3A_337 = arith.subf %add3A_336, %get3A_335 : vector<16xf32>
      %abs3A_338 = math.absf %sub3A_337 : vector<16xf32>
      %add3A_339 = arith.addf %add3A_326, %abs3A_338 : vector<16xf32>
      %mul3A_340 = arith.constant 17 : i32
      %mul3A_341 = arith.muli %scan3A_233, %mul3A_340 : i32
      %swap3A_342 = arith.index_cast %mul3A_341 : i32 to index
      %swap3A_343 = tpu.vector_load %arg14[%swap3A_342] {strides = array<i32>} : memref<2176xf32, #tpu.memory_space<vmem>>, vector<16xf32>,
      tpu.vector_store %arg14[%swap3A_342], %add3A_339 {strides = array<i32>} : memref<2176xf32, #tpu.memory_space<vmem>>, vector<16xf32>,
    }
    %scan3A_88 = arith.constant 64 : i32
    %dma_wait3A_89 = arith.constant 64 : i32
    %dma_wait3A_90 = arith.constant 0 : i32
    %dma_wait3A_91 = tpu.memref_slice %arg11[%dma_wait3A_89, %dma_wait3A_90] : memref<128x128xf32, #tpu.memory_space<vmem>> -> memref<64x128xf32, #tpu.memory_space<vmem>>
    %dma_wait3A_92 = arith.constant 64 : i32
    %dma_wait3A_93 = tpu.memref_slice %arg8[%dma_wait3A_92] : memref<128xi32, #tpu.memory_space<vmem>> -> memref<64xi32, #tpu.memory_space<vmem>>
    %dma_wait3A_94 = arith.constant 0 : i32
    %dma_wait3A_95 = arith.constant 0 : i32
    %dma_wait3A_96 = tpu.memref_slice %arg5[%dma_wait3A_94, %dma_wait3A_95] : memref<1000000x128xf32, #tpu.memory_space<hbm>> -> memref<1000000x128xf32, #tpu.memory_space<hbm>>
    tpu.wait_indirect_dma semaphore(%arg17 : memref<!tpu.dma_semaphore, #tpu.memory_space<semaphore_mem>>) src(%dma_wait3A_96 : memref<1000000x128xf32, #tpu.memory_space<hbm>>) dst(%dma_wait3A_91 : memref<64x128xf32, #tpu.memory_space<vmem>>)
    %dma_wait3A_97 = arith.constant 64 : i32
    %dma_wait3A_98 = arith.constant 0 : i32
    %dma_wait3A_99 = tpu.memref_slice %arg12[%dma_wait3A_97, %dma_wait3A_98] : memref<128x128xf32, #tpu.memory_space<vmem>> -> memref<64x128xf32, #tpu.memory_space<vmem>>
    %dma_wait3A_100 = arith.constant 64 : i32
    %dma_wait3A_101 = tpu.memref_slice %arg9[%dma_wait3A_100] : memref<128xi32, #tpu.memory_space<vmem>> -> memref<64xi32, #tpu.memory_space<vmem>>
    %dma_wait3A_102 = arith.constant 0 : i32
    %dma_wait3A_103 = arith.constant 0 : i32
    %dma_wait3A_104 = tpu.memref_slice %arg6[%dma_wait3A_102, %dma_wait3A_103] : memref<1000x128xf32, #tpu.memory_space<hbm>> -> memref<1000x128xf32, #tpu.memory_space<hbm>>
    tpu.wait_indirect_dma semaphore(%arg17 : memref<!tpu.dma_semaphore, #tpu.memory_space<semaphore_mem>>) src(%dma_wait3A_104 : memref<1000x128xf32, #tpu.memory_space<hbm>>) dst(%dma_wait3A_99 : memref<64x128xf32, #tpu.memory_space<vmem>>)
    %dma_wait3A_105 = arith.constant 64 : i32
    %dma_wait3A_106 = arith.constant 0 : i32
    %dma_wait3A_107 = tpu.memref_slice %arg13[%dma_wait3A_105, %dma_wait3A_106] : memref<128x128xf32, #tpu.memory_space<vmem>> -> memref<64x128xf32, #tpu.memory_space<vmem>>
    %dma_wait3A_108 = arith.constant 64 : i32
    %dma_wait3A_109 = tpu.memref_slice %arg10[%dma_wait3A_108] : memref<128xi32, #tpu.memory_space<vmem>> -> memref<64xi32, #tpu.memory_space<vmem>>
    %dma_wait3A_110 = arith.constant 0 : i32
    %dma_wait3A_111 = arith.constant 0 : i32
    %dma_wait3A_112 = tpu.memref_slice %arg5[%dma_wait3A_110, %dma_wait3A_111] : memref<1000000x128xf32, #tpu.memory_space<hbm>> -> memref<1000000x128xf32, #tpu.memory_space<hbm>>
    tpu.wait_indirect_dma semaphore(%arg17 : memref<!tpu.dma_semaphore, #tpu.memory_space<semaphore_mem>>) src(%dma_wait3A_112 : memref<1000000x128xf32, #tpu.memory_space<hbm>>) dst(%dma_wait3A_107 : memref<64x128xf32, #tpu.memory_space<vmem>>)
    %scan3A_113 = arith.constant 64 : i32
    %scan3A_114 = arith.constant 64 : i32
    %scan3A_115 = arith.addi %scan3A_113, %scan3A_114 : i32
    %scan3A_116 = arith.constant 2 : i32
    scf.for %scan3A_126 = %scan3A_113 to %scan3A_115 step %scan3A_116  : i32 {
      %broadcast_in_dim3A = arith.constant 0.000000e+00 : f32
      %broadcast_in_dim3A_127 = vector.broadcast %broadcast_in_dim3A : f32 to vector<16xf32>
      %get3A = arith.index_cast %scan3A_126 : i32 to index
      %get3A_128 = arith.constant 0 : index
      %get3A_129 = tpu.vector_load %arg11[%get3A, %get3A_128] {strides = array<i32>} : memref<128x128xf32, #tpu.memory_space<vmem>>, vector<16xf32>,
      %get3A_130 = arith.index_cast %scan3A_126 : i32 to index
      %get3A_131 = arith.constant 0 : index
      %get3A_132 = tpu.vector_load %arg12[%get3A_130, %get3A_131] {strides = array<i32>} : memref<128x128xf32, #tpu.memory_space<vmem>>, vector<16xf32>,
      %get3A_133 = arith.index_cast %scan3A_126 : i32 to index
      %get3A_134 = arith.constant 0 : index
      %get3A_135 = tpu.vector_load %arg13[%get3A_133, %get3A_134] {strides = array<i32>} : memref<128x128xf32, #tpu.memory_space<vmem>>, vector<16xf32>,
      %add3A_136 = arith.addf %get3A_129, %get3A_132 : vector<16xf32>
      %sub3A = arith.subf %add3A_136, %get3A_135 : vector<16xf32>
      %abs3A = math.absf %sub3A : vector<16xf32>
      %add3A_137 = arith.addf %broadcast_in_dim3A_127, %abs3A : vector<16xf32>
      %get3A_138 = arith.index_cast %scan3A_126 : i32 to index
      %get3A_139 = arith.constant 16 : index
      %get3A_140 = tpu.vector_load %arg11[%get3A_138, %get3A_139] {strides = array<i32>} : memref<128x128xf32, #tpu.memory_space<vmem>>, vector<16xf32>,
      %get3A_141 = arith.index_cast %scan3A_126 : i32 to index
      %get3A_142 = arith.constant 16 : index
      %get3A_143 = tpu.vector_load %arg12[%get3A_141, %get3A_142] {strides = array<i32>} : memref<128x128xf32, #tpu.memory_space<vmem>>, vector<16xf32>,
      %get3A_144 = arith.index_cast %scan3A_126 : i32 to index
      %get3A_145 = arith.constant 16 : index
      %get3A_146 = tpu.vector_load %arg13[%get3A_144, %get3A_145] {strides = array<i32>} : memref<128x128xf32, #tpu.memory_space<vmem>>, vector<16xf32>,
      %add3A_147 = arith.addf %get3A_140, %get3A_143 : vector<16xf32>
      %sub3A_148 = arith.subf %add3A_147, %get3A_146 : vector<16xf32>
      %abs3A_149 = math.absf %sub3A_148 : vector<16xf32>
      %add3A_150 = arith.addf %add3A_137, %abs3A_149 : vector<16xf32>
      %get3A_151 = arith.index_cast %scan3A_126 : i32 to index
      %get3A_152 = arith.constant 32 : index
      %get3A_153 = tpu.vector_load %arg11[%get3A_151, %get3A_152] {strides = array<i32>} : memref<128x128xf32, #tpu.memory_space<vmem>>, vector<16xf32>,
      %get3A_154 = arith.index_cast %scan3A_126 : i32 to index
      %get3A_155 = arith.constant 32 : index
      %get3A_156 = tpu.vector_load %arg12[%get3A_154, %get3A_155] {strides = array<i32>} : memref<128x128xf32, #tpu.memory_space<vmem>>, vector<16xf32>,
      %get3A_157 = arith.index_cast %scan3A_126 : i32 to index
      %get3A_158 = arith.constant 32 : index
      %get3A_159 = tpu.vector_load %arg13[%get3A_157, %get3A_158] {strides = array<i32>} : memref<128x128xf32, #tpu.memory_space<vmem>>, vector<16xf32>,
      %add3A_160 = arith.addf %get3A_153, %get3A_156 : vector<16xf32>
      %sub3A_161 = arith.subf %add3A_160, %get3A_159 : vector<16xf32>
      %abs3A_162 = math.absf %sub3A_161 : vector<16xf32>
      %add3A_163 = arith.addf %add3A_150, %abs3A_162 : vector<16xf32>
      %get3A_164 = arith.index_cast %scan3A_126 : i32 to index
      %get3A_165 = arith.constant 48 : index
      %get3A_166 = tpu.vector_load %arg11[%get3A_164, %get3A_165] {strides = array<i32>} : memref<128x128xf32, #tpu.memory_space<vmem>>, vector<16xf32>,
      %get3A_167 = arith.index_cast %scan3A_126 : i32 to index
      %get3A_168 = arith.constant 48 : index
      %get3A_169 = tpu.vector_load %arg12[%get3A_167, %get3A_168] {strides = array<i32>} : memref<128x128xf32, #tpu.memory_space<vmem>>, vector<16xf32>,
      %get3A_170 = arith.index_cast %scan3A_126 : i32 to index
      %get3A_171 = arith.constant 48 : index
      %get3A_172 = tpu.vector_load %arg13[%get3A_170, %get3A_171] {strides = array<i32>} : memref<128x128xf32, #tpu.memory_space<vmem>>, vector<16xf32>,
      %add3A_173 = arith.addf %get3A_166, %get3A_169 : vector<16xf32>
      %sub3A_174 = arith.subf %add3A_173, %get3A_172 : vector<16xf32>
      %abs3A_175 = math.absf %sub3A_174 : vector<16xf32>
      %add3A_176 = arith.addf %add3A_163, %abs3A_175 : vector<16xf32>
      %get3A_177 = arith.index_cast %scan3A_126 : i32 to index
      %get3A_178 = arith.constant 64 : index
      %get3A_179 = tpu.vector_load %arg11[%get3A_177, %get3A_178] {strides = array<i32>} : memref<128x128xf32, #tpu.memory_space<vmem>>, vector<16xf32>,
      %get3A_180 = arith.index_cast %scan3A_126 : i32 to index
      %get3A_181 = arith.constant 64 : index
      %get3A_182 = tpu.vector_load %arg12[%get3A_180, %get3A_181] {strides = array<i32>} : memref<128x128xf32, #tpu.memory_space<vmem>>, vector<16xf32>,
      %get3A_183 = arith.index_cast %scan3A_126 : i32 to index
      %get3A_184 = arith.constant 64 : index
      %get3A_185 = tpu.vector_load %arg13[%get3A_183, %get3A_184] {strides = array<i32>} : memref<128x128xf32, #tpu.memory_space<vmem>>, vector<16xf32>,
      %add3A_186 = arith.addf %get3A_179, %get3A_182 : vector<16xf32>
      %sub3A_187 = arith.subf %add3A_186, %get3A_185 : vector<16xf32>
      %abs3A_188 = math.absf %sub3A_187 : vector<16xf32>
      %add3A_189 = arith.addf %add3A_176, %abs3A_188 : vector<16xf32>
      %get3A_190 = arith.index_cast %scan3A_126 : i32 to index
      %get3A_191 = arith.constant 80 : index
      %get3A_192 = tpu.vector_load %arg11[%get3A_190, %get3A_191] {strides = array<i32>} : memref<128x128xf32, #tpu.memory_space<vmem>>, vector<16xf32>,
      %get3A_193 = arith.index_cast %scan3A_126 : i32 to index
      %get3A_194 = arith.constant 80 : index
      %get3A_195 = tpu.vector_load %arg12[%get3A_193, %get3A_194] {strides = array<i32>} : memref<128x128xf32, #tpu.memory_space<vmem>>, vector<16xf32>,
      %get3A_196 = arith.index_cast %scan3A_126 : i32 to index
      %get3A_197 = arith.constant 80 : index
      %get3A_198 = tpu.vector_load %arg13[%get3A_196, %get3A_197] {strides = array<i32>} : memref<128x128xf32, #tpu.memory_space<vmem>>, vector<16xf32>,
      %add3A_199 = arith.addf %get3A_192, %get3A_195 : vector<16xf32>
      %sub3A_200 = arith.subf %add3A_199, %get3A_198 : vector<16xf32>
      %abs3A_201 = math.absf %sub3A_200 : vector<16xf32>
      %add3A_202 = arith.addf %add3A_189, %abs3A_201 : vector<16xf32>
      %get3A_203 = arith.index_cast %scan3A_126 : i32 to index
      %get3A_204 = arith.constant 96 : index
      %get3A_205 = tpu.vector_load %arg11[%get3A_203, %get3A_204] {strides = array<i32>} : memref<128x128xf32, #tpu.memory_space<vmem>>, vector<16xf32>,
      %get3A_206 = arith.index_cast %scan3A_126 : i32 to index
      %get3A_207 = arith.constant 96 : index
      %get3A_208 = tpu.vector_load %arg12[%get3A_206, %get3A_207] {strides = array<i32>} : memref<128x128xf32, #tpu.memory_space<vmem>>, vector<16xf32>,
      %get3A_209 = arith.index_cast %scan3A_126 : i32 to index
      %get3A_210 = arith.constant 96 : index
      %get3A_211 = tpu.vector_load %arg13[%get3A_209, %get3A_210] {strides = array<i32>} : memref<128x128xf32, #tpu.memory_space<vmem>>, vector<16xf32>,
      %add3A_212 = arith.addf %get3A_205, %get3A_208 : vector<16xf32>
      %sub3A_213 = arith.subf %add3A_212, %get3A_211 : vector<16xf32>
      %abs3A_214 = math.absf %sub3A_213 : vector<16xf32>
      %add3A_215 = arith.addf %add3A_202, %abs3A_214 : vector<16xf32>
      %get3A_216 = arith.index_cast %scan3A_126 : i32 to index
      %get3A_217 = arith.constant 112 : index
      %get3A_218 = tpu.vector_load %arg11[%get3A_216, %get3A_217] {strides = array<i32>} : memref<128x128xf32, #tpu.memory_space<vmem>>, vector<16xf32>,
      %get3A_219 = arith.index_cast %scan3A_126 : i32 to index
      %get3A_220 = arith.constant 112 : index
      %get3A_221 = tpu.vector_load %arg12[%get3A_219, %get3A_220] {strides = array<i32>} : memref<128x128xf32, #tpu.memory_space<vmem>>, vector<16xf32>,
      %get3A_222 = arith.index_cast %scan3A_126 : i32 to index
      %get3A_223 = arith.constant 112 : index
      %get3A_224 = tpu.vector_load %arg13[%get3A_222, %get3A_223] {strides = array<i32>} : memref<128x128xf32, #tpu.memory_space<vmem>>, vector<16xf32>,
      %add3A_225 = arith.addf %get3A_218, %get3A_221 : vector<16xf32>
      %sub3A_226 = arith.subf %add3A_225, %get3A_224 : vector<16xf32>
      %abs3A_227 = math.absf %sub3A_226 : vector<16xf32>
      %add3A_228 = arith.addf %add3A_215, %abs3A_227 : vector<16xf32>
      %mul3A_229 = arith.constant 17 : i32
      %mul3A_230 = arith.muli %scan3A_126, %mul3A_229 : i32
      %swap3A = arith.index_cast %mul3A_230 : i32 to index
      %swap3A_231 = tpu.vector_load %arg14[%swap3A] {strides = array<i32>} : memref<2176xf32, #tpu.memory_space<vmem>>, vector<16xf32>,
      tpu.vector_store %arg14[%swap3A], %add3A_228 {strides = array<i32>} : memref<2176xf32, #tpu.memory_space<vmem>>, vector<16xf32>,
      %scan3A_232 = arith.constant 1 : i32
      %scan3A_233 = arith.addi %scan3A_126, %scan3A_232 : i32
      %broadcast_in_dim3A_234 = arith.constant 0.000000e+00 : f32
      %broadcast_in_dim3A_235 = vector.broadcast %broadcast_in_dim3A_234 : f32 to vector<16xf32>
      %get3A_236 = arith.index_cast %scan3A_233 : i32 to index
      %get3A_237 = arith.constant 0 : index
      %get3A_238 = tpu.vector_load %arg11[%get3A_236, %get3A_237] {strides = array<i32>} : memref<128x128xf32, #tpu.memory_space<vmem>>, vector<16xf32>,
      %get3A_239 = arith.index_cast %scan3A_233 : i32 to index
      %get3A_240 = arith.constant 0 : index
      %get3A_241 = tpu.vector_load %arg12[%get3A_239, %get3A_240] {strides = array<i32>} : memref<128x128xf32, #tpu.memory_space<vmem>>, vector<16xf32>,
      %get3A_242 = arith.index_cast %scan3A_233 : i32 to index
      %get3A_243 = arith.constant 0 : index
      %get3A_244 = tpu.vector_load %arg13[%get3A_242, %get3A_243] {strides = array<i32>} : memref<128x128xf32, #tpu.memory_space<vmem>>, vector<16xf32>,
      %add3A_245 = arith.addf %get3A_238, %get3A_241 : vector<16xf32>
      %sub3A_246 = arith.subf %add3A_245, %get3A_244 : vector<16xf32>
      %abs3A_247 = math.absf %sub3A_246 : vector<16xf32>
      %add3A_248 = arith.addf %broadcast_in_dim3A_235, %abs3A_247 : vector<16xf32>
      %get3A_249 = arith.index_cast %scan3A_233 : i32 to index
      %get3A_250 = arith.constant 16 : index
      %get3A_251 = tpu.vector_load %arg11[%get3A_249, %get3A_250] {strides = array<i32>} : memref<128x128xf32, #tpu.memory_space<vmem>>, vector<16xf32>,
      %get3A_252 = arith.index_cast %scan3A_233 : i32 to index
      %get3A_253 = arith.constant 16 : index
      %get3A_254 = tpu.vector_load %arg12[%get3A_252, %get3A_253] {strides = array<i32>} : memref<128x128xf32, #tpu.memory_space<vmem>>, vector<16xf32>,
      %get3A_255 = arith.index_cast %scan3A_233 : i32 to index
      %get3A_256 = arith.constant 16 : index
      %get3A_257 = tpu.vector_load %arg13[%get3A_255, %get3A_256] {strides = array<i32>} : memref<128x128xf32, #tpu.memory_space<vmem>>, vector<16xf32>,
      %add3A_258 = arith.addf %get3A_251, %get3A_254 : vector<16xf32>
      %sub3A_259 = arith.subf %add3A_258, %get3A_257 : vector<16xf32>
      %abs3A_260 = math.absf %sub3A_259 : vector<16xf32>
      %add3A_261 = arith.addf %add3A_248, %abs3A_260 : vector<16xf32>
      %get3A_262 = arith.index_cast %scan3A_233 : i32 to index
      %get3A_263 = arith.constant 32 : index
      %get3A_264 = tpu.vector_load %arg11[%get3A_262, %get3A_263] {strides = array<i32>} : memref<128x128xf32, #tpu.memory_space<vmem>>, vector<16xf32>,
      %get3A_265 = arith.index_cast %scan3A_233 : i32 to index
      %get3A_266 = arith.constant 32 : index
      %get3A_267 = tpu.vector_load %arg12[%get3A_265, %get3A_266] {strides = array<i32>} : memref<128x128xf32, #tpu.memory_space<vmem>>, vector<16xf32>,
      %get3A_268 = arith.index_cast %scan3A_233 : i32 to index
      %get3A_269 = arith.constant 32 : index
      %get3A_270 = tpu.vector_load %arg13[%get3A_268, %get3A_269] {strides = array<i32>} : memref<128x128xf32, #tpu.memory_space<vmem>>, vector<16xf32>,
      %add3A_271 = arith.addf %get3A_264, %get3A_267 : vector<16xf32>
      %sub3A_272 = arith.subf %add3A_271, %get3A_270 : vector<16xf32>
      %abs3A_273 = math.absf %sub3A_272 : vector<16xf32>
      %add3A_274 = arith.addf %add3A_261, %abs3A_273 : vector<16xf32>
      %get3A_275 = arith.index_cast %scan3A_233 : i32 to index
      %get3A_276 = arith.constant 48 : index
      %get3A_277 = tpu.vector_load %arg11[%get3A_275, %get3A_276] {strides = array<i32>} : memref<128x128xf32, #tpu.memory_space<vmem>>, vector<16xf32>,
      %get3A_278 = arith.index_cast %scan3A_233 : i32 to index
      %get3A_279 = arith.constant 48 : index
      %get3A_280 = tpu.vector_load %arg12[%get3A_278, %get3A_279] {strides = array<i32>} : memref<128x128xf32, #tpu.memory_space<vmem>>, vector<16xf32>,
      %get3A_281 = arith.index_cast %scan3A_233 : i32 to index
      %get3A_282 = arith.constant 48 : index
      %get3A_283 = tpu.vector_load %arg13[%get3A_281, %get3A_282] {strides = array<i32>} : memref<128x128xf32, #tpu.memory_space<vmem>>, vector<16xf32>,
      %add3A_284 = arith.addf %get3A_277, %get3A_280 : vector<16xf32>
      %sub3A_285 = arith.subf %add3A_284, %get3A_283 : vector<16xf32>
      %abs3A_286 = math.absf %sub3A_285 : vector<16xf32>
      %add3A_287 = arith.addf %add3A_274, %abs3A_286 : vector<16xf32>
      %get3A_288 = arith.index_cast %scan3A_233 : i32 to index
      %get3A_289 = arith.constant 64 : index
      %get3A_290 = tpu.vector_load %arg11[%get3A_288, %get3A_289] {strides = array<i32>} : memref<128x128xf32, #tpu.memory_space<vmem>>, vector<16xf32>,
      %get3A_291 = arith.index_cast %scan3A_233 : i32 to index
      %get3A_292 = arith.constant 64 : index
      %get3A_293 = tpu.vector_load %arg12[%get3A_291, %get3A_292] {strides = array<i32>} : memref<128x128xf32, #tpu.memory_space<vmem>>, vector<16xf32>,
      %get3A_294 = arith.index_cast %scan3A_233 : i32 to index
      %get3A_295 = arith.constant 64 : index
      %get3A_296 = tpu.vector_load %arg13[%get3A_294, %get3A_295] {strides = array<i32>} : memref<128x128xf32, #tpu.memory_space<vmem>>, vector<16xf32>,
      %add3A_297 = arith.addf %get3A_290, %get3A_293 : vector<16xf32>
      %sub3A_298 = arith.subf %add3A_297, %get3A_296 : vector<16xf32>
      %abs3A_299 = math.absf %sub3A_298 : vector<16xf32>
      %add3A_300 = arith.addf %add3A_287, %abs3A_299 : vector<16xf32>
      %get3A_301 = arith.index_cast %scan3A_233 : i32 to index
      %get3A_302 = arith.constant 80 : index
      %get3A_303 = tpu.vector_load %arg11[%get3A_301, %get3A_302] {strides = array<i32>} : memref<128x128xf32, #tpu.memory_space<vmem>>, vector<16xf32>,
      %get3A_304 = arith.index_cast %scan3A_233 : i32 to index
      %get3A_305 = arith.constant 80 : index
      %get3A_306 = tpu.vector_load %arg12[%get3A_304, %get3A_305] {strides = array<i32>} : memref<128x128xf32, #tpu.memory_space<vmem>>, vector<16xf32>,
      %get3A_307 = arith.index_cast %scan3A_233 : i32 to index
      %get3A_308 = arith.constant 80 : index
      %get3A_309 = tpu.vector_load %arg13[%get3A_307, %get3A_308] {strides = array<i32>} : memref<128x128xf32, #tpu.memory_space<vmem>>, vector<16xf32>,
      %add3A_310 = arith.addf %get3A_303, %get3A_306 : vector<16xf32>
      %sub3A_311 = arith.subf %add3A_310, %get3A_309 : vector<16xf32>
      %abs3A_312 = math.absf %sub3A_311 : vector<16xf32>
      %add3A_313 = arith.addf %add3A_300, %abs3A_312 : vector<16xf32>
      %get3A_314 = arith.index_cast %scan3A_233 : i32 to index
      %get3A_315 = arith.constant 96 : index
      %get3A_316 = tpu.vector_load %arg11[%get3A_314, %get3A_315] {strides = array<i32>} : memref<128x128xf32, #tpu.memory_space<vmem>>, vector<16xf32>,
      %get3A_317 = arith.index_cast %scan3A_233 : i32 to index
      %get3A_318 = arith.constant 96 : index
      %get3A_319 = tpu.vector_load %arg12[%get3A_317, %get3A_318] {strides = array<i32>} : memref<128x128xf32, #tpu.memory_space<vmem>>, vector<16xf32>,
      %get3A_320 = arith.index_cast %scan3A_233 : i32 to index
      %get3A_321 = arith.constant 96 : index
      %get3A_322 = tpu.vector_load %arg13[%get3A_320, %get3A_321] {strides = array<i32>} : memref<128x128xf32, #tpu.memory_space<vmem>>, vector<16xf32>,
      %add3A_323 = arith.addf %get3A_316, %get3A_319 : vector<16xf32>
      %sub3A_324 = arith.subf %add3A_323, %get3A_322 : vector<16xf32>
      %abs3A_325 = math.absf %sub3A_324 : vector<16xf32>
      %add3A_326 = arith.addf %add3A_313, %abs3A_325 : vector<16xf32>
      %get3A_327 = arith.index_cast %scan3A_233 : i32 to index
      %get3A_328 = arith.constant 112 : index
      %get3A_329 = tpu.vector_load %arg11[%get3A_327, %get3A_328] {strides = array<i32>} : memref<128x128xf32, #tpu.memory_space<vmem>>, vector<16xf32>,
      %get3A_330 = arith.index_cast %scan3A_233 : i32 to index
      %get3A_331 = arith.constant 112 : index
      %get3A_332 = tpu.vector_load %arg12[%get3A_330, %get3A_331] {strides = array<i32>} : memref<128x128xf32, #tpu.memory_space<vmem>>, vector<16xf32>,
      %get3A_333 = arith.index_cast %scan3A_233 : i32 to index
      %get3A_334 = arith.constant 112 : index
      %get3A_335 = tpu.vector_load %arg13[%get3A_333, %get3A_334] {strides = array<i32>} : memref<128x128xf32, #tpu.memory_space<vmem>>, vector<16xf32>,
      %add3A_336 = arith.addf %get3A_329, %get3A_332 : vector<16xf32>
      %sub3A_337 = arith.subf %add3A_336, %get3A_335 : vector<16xf32>
      %abs3A_338 = math.absf %sub3A_337 : vector<16xf32>
      %add3A_339 = arith.addf %add3A_326, %abs3A_338 : vector<16xf32>
      %mul3A_340 = arith.constant 17 : i32
      %mul3A_341 = arith.muli %scan3A_233, %mul3A_340 : i32
      %swap3A_342 = arith.index_cast %mul3A_341 : i32 to index
      %swap3A_343 = tpu.vector_load %arg14[%swap3A_342] {strides = array<i32>} : memref<2176xf32, #tpu.memory_space<vmem>>, vector<16xf32>,
      tpu.vector_store %arg14[%swap3A_342], %add3A_339 {strides = array<i32>} : memref<2176xf32, #tpu.memory_space<vmem>>, vector<16xf32>,
    }
    %scan3A_117 = arith.constant 64 : i32
    %iota3A = tpu.iota {dimensions = array<i32: 0>} : vector<16xi32>
    %mul3A_118 = arith.constant 17 : i32
    %mul3A_119 = vector.broadcast %mul3A_118 : i32 to vector<16xi32>
    %mul3A_120 = arith.muli %iota3A, %mul3A_119 : vector<16xi32>
    %scan3A_121 = arith.constant 0 : i32
    %scan3A_122 = arith.constant 8 : i32
    %scan3A_123 = arith.addi %scan3A_121, %scan3A_122 : i32
    %scan3A_124 = arith.constant 1 : i32
    scf.for %scan3A_126 = %scan3A_121 to %scan3A_123 step %scan3A_124  : i32 {
      %broadcast_in_dim3A = arith.constant 0.000000e+00 : f32
      %broadcast_in_dim3A_127 = vector.broadcast %broadcast_in_dim3A : f32 to vector<16xf32>
      %mul3A_128 = arith.constant 272 : i32
      %mul3A_129 = arith.muli %scan3A_126, %mul3A_128 : i32
      %add3A_130 = arith.constant 0 : i32
      %add3A_131 = arith.addi %mul3A_129, %add3A_130 : i32
      %add3A_132 = vector.broadcast %add3A_131 : i32 to vector<16xi32>
      %add3A_133 = arith.addi %mul3A_120, %add3A_132 : vector<16xi32>
      %gather3A = tpu.vector_load_idx %arg14[%add3A_133] : memref<2176xf32, #tpu.memory_space<vmem>>[vector<16xi32>], vector<16xf32>,
      %add3A_134 = arith.addf %broadcast_in_dim3A_127, %gather3A : vector<16xf32>
      %mul3A_135 = arith.constant 272 : i32
      %mul3A_136 = arith.muli %scan3A_126, %mul3A_135 : i32
      %add3A_137 = arith.constant 1 : i32
      %add3A_138 = arith.addi %mul3A_136, %add3A_137 : i32
      %add3A_139 = vector.broadcast %add3A_138 : i32 to vector<16xi32>
      %add3A_140 = arith.addi %mul3A_120, %add3A_139 : vector<16xi32>
      %gather3A_141 = tpu.vector_load_idx %arg14[%add3A_140] : memref<2176xf32, #tpu.memory_space<vmem>>[vector<16xi32>], vector<16xf32>,
      %add3A_142 = arith.addf %add3A_134, %gather3A_141 : vector<16xf32>
      %mul3A_143 = arith.constant 272 : i32
      %mul3A_144 = arith.muli %scan3A_126, %mul3A_143 : i32
      %add3A_145 = arith.constant 2 : i32
      %add3A_146 = arith.addi %mul3A_144, %add3A_145 : i32
      %add3A_147 = vector.broadcast %add3A_146 : i32 to vector<16xi32>
      %add3A_148 = arith.addi %mul3A_120, %add3A_147 : vector<16xi32>
      %gather3A_149 = tpu.vector_load_idx %arg14[%add3A_148] : memref<2176xf32, #tpu.memory_space<vmem>>[vector<16xi32>], vector<16xf32>,
      %add3A_150 = arith.addf %add3A_142, %gather3A_149 : vector<16xf32>
      %mul3A_151 = arith.constant 272 : i32
      %mul3A_152 = arith.muli %scan3A_126, %mul3A_151 : i32
      %add3A_153 = arith.constant 3 : i32
      %add3A_154 = arith.addi %mul3A_152, %add3A_153 : i32
      %add3A_155 = vector.broadcast %add3A_154 : i32 to vector<16xi32>
      %add3A_156 = arith.addi %mul3A_120, %add3A_155 : vector<16xi32>
      %gather3A_157 = tpu.vector_load_idx %arg14[%add3A_156] : memref<2176xf32, #tpu.memory_space<vmem>>[vector<16xi32>], vector<16xf32>,
      %add3A_158 = arith.addf %add3A_150, %gather3A_157 : vector<16xf32>
      %mul3A_159 = arith.constant 272 : i32
      %mul3A_160 = arith.muli %scan3A_126, %mul3A_159 : i32
      %add3A_161 = arith.constant 4 : i32
      %add3A_162 = arith.addi %mul3A_160, %add3A_161 : i32
      %add3A_163 = vector.broadcast %add3A_162 : i32 to vector<16xi32>
      %add3A_164 = arith.addi %mul3A_120, %add3A_163 : vector<16xi32>
      %gather3A_165 = tpu.vector_load_idx %arg14[%add3A_164] : memref<2176xf32, #tpu.memory_space<vmem>>[vector<16xi32>], vector<16xf32>,
      %add3A_166 = arith.addf %add3A_158, %gather3A_165 : vector<16xf32>
      %mul3A_167 = arith.constant 272 : i32
      %mul3A_168 = arith.muli %scan3A_126, %mul3A_167 : i32
      %add3A_169 = arith.constant 5 : i32
      %add3A_170 = arith.addi %mul3A_168, %add3A_169 : i32
      %add3A_171 = vector.broadcast %add3A_170 : i32 to vector<16xi32>
      %add3A_172 = arith.addi %mul3A_120, %add3A_171 : vector<16xi32>
      %gather3A_173 = tpu.vector_load_idx %arg14[%add3A_172] : memref<2176xf32, #tpu.memory_space<vmem>>[vector<16xi32>], vector<16xf32>,
      %add3A_174 = arith.addf %add3A_166, %gather3A_173 : vector<16xf32>
      %mul3A_175 = arith.constant 272 : i32
      %mul3A_176 = arith.muli %scan3A_126, %mul3A_175 : i32
      %add3A_177 = arith.constant 6 : i32
      %add3A_178 = arith.addi %mul3A_176, %add3A_177 : i32
      %add3A_179 = vector.broadcast %add3A_178 : i32 to vector<16xi32>
      %add3A_180 = arith.addi %mul3A_120, %add3A_179 : vector<16xi32>
      %gather3A_181 = tpu.vector_load_idx %arg14[%add3A_180] : memref<2176xf32, #tpu.memory_space<vmem>>[vector<16xi32>], vector<16xf32>,
      %add3A_182 = arith.addf %add3A_174, %gather3A_181 : vector<16xf32>
      %mul3A_183 = arith.constant 272 : i32
      %mul3A_184 = arith.muli %scan3A_126, %mul3A_183 : i32
      %add3A_185 = arith.constant 7 : i32
      %add3A_186 = arith.addi %mul3A_184, %add3A_185 : i32
      %add3A_187 = vector.broadcast %add3A_186 : i32 to vector<16xi32>
      %add3A_188 = arith.addi %mul3A_120, %add3A_187 : vector<16xi32>
      %gather3A_189 = tpu.vector_load_idx %arg14[%add3A_188] : memref<2176xf32, #tpu.memory_space<vmem>>[vector<16xi32>], vector<16xf32>,
      %add3A_190 = arith.addf %add3A_182, %gather3A_189 : vector<16xf32>
      %mul3A_191 = arith.constant 272 : i32
      %mul3A_192 = arith.muli %scan3A_126, %mul3A_191 : i32
      %add3A_193 = arith.constant 8 : i32
      %add3A_194 = arith.addi %mul3A_192, %add3A_193 : i32
      %add3A_195 = vector.broadcast %add3A_194 : i32 to vector<16xi32>
      %add3A_196 = arith.addi %mul3A_120, %add3A_195 : vector<16xi32>
      %gather3A_197 = tpu.vector_load_idx %arg14[%add3A_196] : memref<2176xf32, #tpu.memory_space<vmem>>[vector<16xi32>], vector<16xf32>,
      %add3A_198 = arith.addf %add3A_190, %gather3A_197 : vector<16xf32>
      %mul3A_199 = arith.constant 272 : i32
      %mul3A_200 = arith.muli %scan3A_126, %mul3A_199 : i32
      %add3A_201 = arith.constant 9 : i32
      %add3A_202 = arith.addi %mul3A_200, %add3A_201 : i32
      %add3A_203 = vector.broadcast %add3A_202 : i32 to vector<16xi32>
      %add3A_204 = arith.addi %mul3A_120, %add3A_203 : vector<16xi32>
      %gather3A_205 = tpu.vector_load_idx %arg14[%add3A_204] : memref<2176xf32, #tpu.memory_space<vmem>>[vector<16xi32>], vector<16xf32>,
      %add3A_206 = arith.addf %add3A_198, %gather3A_205 : vector<16xf32>
      %mul3A_207 = arith.constant 272 : i32
      %mul3A_208 = arith.muli %scan3A_126, %mul3A_207 : i32
      %add3A_209 = arith.constant 10 : i32
      %add3A_210 = arith.addi %mul3A_208, %add3A_209 : i32
      %add3A_211 = vector.broadcast %add3A_210 : i32 to vector<16xi32>
      %add3A_212 = arith.addi %mul3A_120, %add3A_211 : vector<16xi32>
      %gather3A_213 = tpu.vector_load_idx %arg14[%add3A_212] : memref<2176xf32, #tpu.memory_space<vmem>>[vector<16xi32>], vector<16xf32>,
      %add3A_214 = arith.addf %add3A_206, %gather3A_213 : vector<16xf32>
      %mul3A_215 = arith.constant 272 : i32
      %mul3A_216 = arith.muli %scan3A_126, %mul3A_215 : i32
      %add3A_217 = arith.constant 11 : i32
      %add3A_218 = arith.addi %mul3A_216, %add3A_217 : i32
      %add3A_219 = vector.broadcast %add3A_218 : i32 to vector<16xi32>
      %add3A_220 = arith.addi %mul3A_120, %add3A_219 : vector<16xi32>
      %gather3A_221 = tpu.vector_load_idx %arg14[%add3A_220] : memref<2176xf32, #tpu.memory_space<vmem>>[vector<16xi32>], vector<16xf32>,
      %add3A_222 = arith.addf %add3A_214, %gather3A_221 : vector<16xf32>
      %mul3A_223 = arith.constant 272 : i32
      %mul3A_224 = arith.muli %scan3A_126, %mul3A_223 : i32
      %add3A_225 = arith.constant 12 : i32
      %add3A_226 = arith.addi %mul3A_224, %add3A_225 : i32
      %add3A_227 = vector.broadcast %add3A_226 : i32 to vector<16xi32>
      %add3A_228 = arith.addi %mul3A_120, %add3A_227 : vector<16xi32>
      %gather3A_229 = tpu.vector_load_idx %arg14[%add3A_228] : memref<2176xf32, #tpu.memory_space<vmem>>[vector<16xi32>], vector<16xf32>,
      %add3A_230 = arith.addf %add3A_222, %gather3A_229 : vector<16xf32>
      %mul3A_231 = arith.constant 272 : i32
      %mul3A_232 = arith.muli %scan3A_126, %mul3A_231 : i32
      %add3A_233 = arith.constant 13 : i32
      %add3A_234 = arith.addi %mul3A_232, %add3A_233 : i32
      %add3A_235 = vector.broadcast %add3A_234 : i32 to vector<16xi32>
      %add3A_236 = arith.addi %mul3A_120, %add3A_235 : vector<16xi32>
      %gather3A_237 = tpu.vector_load_idx %arg14[%add3A_236] : memref<2176xf32, #tpu.memory_space<vmem>>[vector<16xi32>], vector<16xf32>,
      %add3A_238 = arith.addf %add3A_230, %gather3A_237 : vector<16xf32>
      %mul3A_239 = arith.constant 272 : i32
      %mul3A_240 = arith.muli %scan3A_126, %mul3A_239 : i32
      %add3A_241 = arith.constant 14 : i32
      %add3A_242 = arith.addi %mul3A_240, %add3A_241 : i32
      %add3A_243 = vector.broadcast %add3A_242 : i32 to vector<16xi32>
      %add3A_244 = arith.addi %mul3A_120, %add3A_243 : vector<16xi32>
      %gather3A_245 = tpu.vector_load_idx %arg14[%add3A_244] : memref<2176xf32, #tpu.memory_space<vmem>>[vector<16xi32>], vector<16xf32>,
      %add3A_246 = arith.addf %add3A_238, %gather3A_245 : vector<16xf32>
      %mul3A_247 = arith.constant 272 : i32
      %mul3A_248 = arith.muli %scan3A_126, %mul3A_247 : i32
      %add3A_249 = arith.constant 15 : i32
      %add3A_250 = arith.addi %mul3A_248, %add3A_249 : i32
      %add3A_251 = vector.broadcast %add3A_250 : i32 to vector<16xi32>
      %add3A_252 = arith.addi %mul3A_120, %add3A_251 : vector<16xi32>
      %gather3A_253 = tpu.vector_load_idx %arg14[%add3A_252] : memref<2176xf32, #tpu.memory_space<vmem>>[vector<16xi32>], vector<16xf32>,
      %add3A_254 = arith.addf %add3A_246, %gather3A_253 : vector<16xf32>
      %sub3A = arith.constant 1.200000e+01 : f32
      %sub3A_255 = vector.broadcast %sub3A : f32 to vector<16xf32>
      %sub3A_256 = arith.subf %sub3A_255, %add3A_254 : vector<16xf32>
      %mul3A_257 = arith.constant 16 : i32
      %mul3A_258 = arith.muli %scan3A_126, %mul3A_257 : i32
      %multiple_of3A = tpu.assume_multiple %mul3A_258, 16 : i32
      %swap3A = arith.index_cast %multiple_of3A : i32 to index
      %swap3A_259 = tpu.vector_load %arg15[%swap3A] {strides = array<i32>} : memref<128xf32, #tpu.memory_space<vmem>>, vector<16xf32>,
      tpu.vector_store %arg15[%swap3A], %sub3A_256 {strides = array<i32>} : memref<128xf32, #tpu.memory_space<vmem>>, vector<16xf32>,
    }
    %scan3A_125 = arith.constant 8 : i32
    "tpu.region"() ({
      %run_scoped3A = tpu.sem_alloc : memref<!tpu.dma_semaphore, #tpu.memory_space<semaphore_mem>>
      %dma_start3A_126 = tpu.memref_slice %arg7[%mul3A_2] : memref<4096xf32, #tpu.memory_space<hbm>> -> memref<128xf32, #tpu.memory_space<hbm>>
      %dma_start3A_127 = tpu.memref_slice %arg7[%mul3A_2] : memref<4096xf32, #tpu.memory_space<hbm>> -> memref<128xf32, #tpu.memory_space<hbm>>
      tpu.enqueue_dma source(%arg15 : memref<128xf32, #tpu.memory_space<vmem>>) target(%dma_start3A_127 : memref<128xf32, #tpu.memory_space<hbm>>) target_semaphore(%run_scoped3A : memref<!tpu.dma_semaphore, #tpu.memory_space<semaphore_mem>>)
      %dma_wait3A_128 = tpu.memref_slice %arg7[%mul3A_2] : memref<4096xf32, #tpu.memory_space<hbm>> -> memref<128xf32, #tpu.memory_space<hbm>>
      %dma_wait3A_129 = tpu.memref_slice %arg7[%mul3A_2] : memref<4096xf32, #tpu.memory_space<hbm>> -> memref<128xf32, #tpu.memory_space<hbm>>
      tpu.wait_dma2 semaphore(%run_scoped3A : memref<!tpu.dma_semaphore, #tpu.memory_space<semaphore_mem>>) src(%arg15 : memref<128xf32, #tpu.memory_space<vmem>>) dst(%dma_wait3A_129 : memref<128xf32, #tpu.memory_space<hbm>>)
      tpu.yield
    }) : () -> ()
    return
  }
}

</mosaic_0001>

<sc_bundles>
// kernel: kernel.3.cloned.1.call-start
scs
__scs_entry_jumppad:
0x0: {  	(pc) =	sbr.rel $0x88, $3  }
0x1: {  	(tag) =	ssettag $0x0;
	lr =	simm.s32 $0x1  }
0x2: {  	[smem:$0x3F9E] =	sst lr;
	_ =	strace $0xD0000000  }
0x3: {  	_ = 	snop  }
0x4: {  	_ = 	snop  }
0x5: {  	_ = 	snop  }
0x6: {  	_ = 	snop  }
0x7: {  	_ = 	snop  }
__scs_overlays_trampoline_lowered:
0x8: {  	[smem:$0x3FAD] =	sst s0  }
0x9: {  	[smem:$0x3FAE] =	sst s1  }
0xa: {  	[smem:$0x3FAF] =	sst s2  }
0xb: {  	[smem:$0x3FB0] =	sst s3  }
0xc: {  	[smem:$0x3FB1] =	sst s4  }
0xd: {  	[smem:$0x3FB2] =	sst s5  }
0xe: {  	[smem:$0x3FB3] =	sst s6  }
0xf: {  	[smem:$0x3FB4] =	sst s7  }
0x10: {  	[smem:$0x3FB5] =	sst s8  }
0x11: {  	[smem:$0x3FB6] =	sst s9;
	s0 =	simm.s32 @!p0 $0x0  }
0x12: {  	s1 =	sld [smem:$0x3F9C];
	s0 =	simm.s32 @p0 $0x1  }
0x13: {  	[smem:$0x3FB7] =	sst s0;
	s0 =	simm.s32 @!p1 $0x0  }
0x14: {  	s2 =	sld [smem:$0x3F9B];
	s0 =	simm.s32 @p1 $0x1  }
0x15: {  	[smem:$0x3FB8] =	sst s0;
	s0 =	simm.s32 @!p2 $0x0  }
0x16: {  	s3 =	sld [smem:$0x3FDB];
	s0 =	simm.s32 @p2 $0x1  }
0x17: {  	s4 =	simm.s32 $0x1BF5;
	[smem:$0x3FBA] =	sst s0  }
0x18: {  	s0 =	sld [smem:$0x3F9D];
	_ =	swait.ge [sflag:s4], $0x0  }
0x19: {  	s7 =	sld [smem:$0x3F9E]  }
0x1a: {  	s8 =	sadd.s32 $0xFFFFE003, lr  }
0x1b: {  	s9 =	sadd.s32 $0xFFFFFEF7, lr;
	s5 =	simm.s32 $0xFFFFFFFF;
	p2 =	slt.u32 s8, $0xFFFFF086  }
0x1c: {  	p1 =	slt.u32 s9, $0xF7A;
	s5 =	simm.s32 @!p2 $0x0  }
0x1d: {  	s5 =	simm.s32 @p1 $0x1;
	p0 =	seq.s32 s7, s2  }
0x1e: {  	s7 =	smul.u32 @!p0 $0xF7A, s2;
	p2 =	seq.s32 @!p0 s5, $0x0  }
0x1f: {  	s9 =	smul.u32 $0xF7A, s1;
	s8 =	simm.s32 @!p0 $0x1BF5;
	p2 =	por !p2, p0  }
0x20: {  	[sflag:s8] =	ssyncset.s32 @!p0 $0xFFFFF086;
	s6 =	sadd.s32 @!p0 s3, s7;
	s7 =	simm.s32 @!p0 $0x108  }
0x21: {  	s3 =	sadd.s32 s3, s9;
	s6 =	sadd.s32 @!p0 $0x88, s6;
	s7 =	simm.s32 @p2 $0x1082  }
0x22: {  	[simem:s7], [sflag:s8] =	dma.local @!p0 [hbm:s6], $0xF7A  }
0x23: {  	s9 =	sor.u32 $0xD0000000, s2;
	s6 =	simm.s32 $0x108;
	_ =	swait.ge @!p0 [sflag:s8], $0x0  }
0x24: {  	s3 =	sadd.s32 $0x88, s3;
	s6 =	simm.s32 @!p1 $0x1082;
	[sflag:s4] =	ssyncset.s32 $0xFFFFF086  }
0x25: {  	[simem:s6], [sflag:s4] =	dma.local [hbm:s3], $0xF7A  }
0x26: {  	[smem:$0x3F9E] =	sst s1;
	(tag) =	ssettag s2;
	_ =	strace s9  }
0x27: {  	s1 =	sld [smem:$0x3FAE]  }
0x28: {  	s2 =	sld [smem:$0x3FAF]  }
0x29: {  	s4 =	sld [smem:$0x3FB1]  }
0x2a: {  	p0 =	seq.s32 s5, $0x0;
	s5 =	sld [smem:$0x3FB2]  }
0x2b: {  	s6 =	sld [smem:$0x3FB3]  }
0x2c: {  	s7 =	sld [smem:$0x3FB4]  }
0x2d: {  	s3 =	simm.s32 $0x108;
	s8 =	sld [smem:$0x3FB5]  }
0x2e: {  	s3 =	simm.s32 @!p0 $0x1082;
	s9 =	sld [smem:$0x3FB6]  }
0x2f: {  	lr =	sadd.s32 s0, s3;
	s0 =	sld [smem:$0x3FAD]  }
0x30: {  	s3 =	sld [smem:$0x3FB0]  }
0x31: {  	[smem:$0x3FB9] =	sst s10  }
0x32: {  	s10 =	sld [smem:$0x3FB7];
	_ =	sdelay $0x3  }
0x33: {  	p0 =	seq.s32 s10, $0x1;
	s10 =	sld [smem:$0x3FB9];
	_ =	sdelay $0x3  }
0x34: {  	[smem:$0x3FB9] =	sst s10  }
0x35: {  	s10 =	sld [smem:$0x3FB8];
	_ =	sdelay $0x3  }
0x36: {  	p1 =	seq.s32 s10, $0x1;
	s10 =	sld [smem:$0x3FB9];
	_ =	sdelay $0x3  }
0x37: {  	[smem:$0x3FB9] =	sst s10  }
0x38: {  	s10 =	sld [smem:$0x3FBA]  }
0x39: {  	_ = 	snop;
	(pc) =	sbr.ind lr, $3  }
0x3a: {  	_ = 	snop  }
0x3b: {  	_ = 	snop  }
0x3c: {  	p2 =	seq.s32 s10, $0x1;
	s10 =	sld [smem:$0x3FB9]  }
0x3d: {  	_ =	shalt  }
0x3e: {  	_ =	shalt  }
0x3f: {  	_ =	shalt  }
0x40: {  	_ =	shalt  }
0x41: {  	_ =	shalt  }
0x42: {  	_ =	shalt  }
0x43: {  	_ =	shalt  }
0x44: {  	_ =	shalt  }
0x45: {  	_ =	shalt  }
0x46: {  	_ =	shalt  }
0x47: {  	_ =	shalt  }
0x48: {  	_ =	shalt  }
0x49: {  	_ =	shalt  }
0x4a: {  	_ =	shalt  }
0x4b: {  	_ =	shalt  }
0x4c: {  	_ =	shalt  }
0x4d: {  	_ =	shalt  }
0x4e: {  	_ =	shalt  }
0x4f: {  	_ =	shalt  }
0x50: {  	_ =	shalt  }
0x51: {  	_ =	shalt  }
0x52: {  	_ =	shalt  }
0x53: {  	_ =	shalt  }
0x54: {  	_ =	shalt  }
0x55: {  	_ =	shalt  }
0x56: {  	_ =	shalt  }
0x57: {  	_ =	shalt  }
0x58: {  	_ =	shalt  }
0x59: {  	_ =	shalt  }
0x5a: {  	_ =	shalt  }
0x5b: {  	_ =	shalt  }
0x5c: {  	_ =	shalt  }
0x5d: {  	_ =	shalt  }
0x5e: {  	_ =	shalt  }
0x5f: {  	_ =	shalt  }
0x60: {  	_ =	shalt  }
0x61: {  	_ =	shalt  }
0x62: {  	_ =	shalt  }
0x63: {  	_ =	shalt  }
0x64: {  	_ =	shalt  }
0x65: {  	_ =	shalt  }
0x66: {  	_ =	shalt  }
0x67: {  	_ =	shalt  }
0x68: {  	_ =	shalt  }
0x69: {  	_ =	shalt  }
0x6a: {  	_ =	shalt  }
0x6b: {  	_ =	shalt  }
0x6c: {  	_ =	shalt  }
0x6d: {  	_ =	shalt  }
0x6e: {  	_ =	shalt  }
0x6f: {  	_ =	shalt  }
0x70: {  	_ =	shalt  }
0x71: {  	_ =	shalt  }
0x72: {  	_ =	shalt  }
0x73: {  	_ =	shalt  }
0x74: {  	_ =	shalt  }
0x75: {  	_ =	shalt  }
0x76: {  	_ =	shalt  }
0x77: {  	_ =	shalt  }
0x78: {  	_ =	shalt  }
0x79: {  	_ =	shalt  }
0x7a: {  	_ =	shalt  }
0x7b: {  	_ =	shalt  }
0x7c: {  	_ =	shalt  }
0x7d: {  	_ =	shalt  }
0x7e: {  	_ =	shalt  }
0x7f: {  	_ =	shalt  }
0x80: {  	_ =	shalt  }
0x81: {  	_ =	shalt  }
0x82: {  	_ =	shalt  }
0x83: {  	_ =	shalt  }
0x84: {  	_ =	shalt  }
0x85: {  	_ =	shalt  }
0x86: {  	_ =	shalt  }
0x87: {  	_ =	shalt  }
.Lfunc_end0:
.L_simem_size_0:
called_computation_lowered:
.L_overlay_start_0:
0x88: {  	s2 =	sld [smem:$0x3FD9]  }
0x89: {  	s3 =	sld [smem:$0x3FFE];
	_ =	sdelay $0x1  }
0x8a: {  	s1 =	srdreg.scid  }
0x8b: {  	s0 =	sand.u32 $0x1, s1  }
0x8c: {  	s17 =	sshll.u32 s0, $0xA;
	s2 =	sadd.s32 s3, s2  }
0x8d: {  	s2 =	sadd.s32 s2, s17  }
0x8e: {  	[smem:$0x3FC5] =	sst s2  }
0x8f: {  	_ = 	snop  }
0x90: {  	s2 =	sld [smem:$0x3FC8]  }
0x91: {  	s18 =	sld [smem:$0x3FC7]  }
0x92: {  	s4 =	sld [smem:$0x3FD0];
	(tm) =	ssettm $0x1  }
0x93: {  	s5 =	sld [smem:$0x3FFB];
	_ =	sdelay $0x3  }
0x94: {  	_ =	strace s5  }
0x95: {  	s5 =	sld [smem:$0x3FFC];
	_ =	sdelay $0x3  }
0x96: {  	_ =	strace s5  }
0x97: {  	s5 =	sld [smem:$0x3FFD];
	_ =	sdelay $0x3  }
0x98: {  	_ =	strace s5  }
0x99: {  	_ =	strace $0x8FFFFFFF  }
0x9a: {  	s19 =	sld [smem:$0x3FDB];
	_ =	sdelay $0x1  }
0x9b: {  	s6 =	simm.s32 $_scs_section_size  }
0x9c: {  	s7 =	simm.s32 $_size__tile_overlayer_lowered;
	s8 =	simm.s32 $_tile_overlayer_lowered  }
0x9d: {  	s22 =	simm.s32 $0x1BFF;
	s21 =	sshll.u32 s8, $0x1;
	s5 =	sadd.s32 s6, s19  }
0x9e: {  	s9 =	simm.s32 $0x0;
	s20 =	sshll.u32 s7, $0x1;
	s7 =	sadd.s32 s21, s5  }
0x9f: {  	[timem:s9], [sflag:s22] =	dma.local [hbm:s7], s20  }
0xa0: {  	_ =	swait.ge [sflag:s22], s20  }
0xa1: {  	s6 =	ssub.s32 $0x0, s20;
	[sflag:s22] =	ssyncset.done $0x0  }
0xa2: {  	[sflag:s22] =	ssyncadd.s32 s6;
	_ =	sdelay $0x1  }
0xa3: {  	s23 =	simm.s32 $0x1B8B  }
0xa4: {  	_ =	swait.ge [sflag:s23], $0x1  }
0xa5: {  	[sflag:s23] =	ssyncset.done $0x0  }
0xa6: {  	s25 =	simm.s32 $0x1B8E;
	s24 =	sld [smem:$0x3FFE];
	[sflag:s23] =	ssyncadd.s32 $0xFFFFFFFF  }
0xa7: {  	s26 =	simm.s32 $execute0_lowered;
	[smem:$0x3FD2] =	sst s25  }
0xa8: {  	s7 =	sshll.u32 s26, $0x1;
	_ =	strace $0x80000046;
	[dreg:$0x1] =	wrdreg $0xFFFFFFFF  }
0xa9: {  	s28 =	simm.s32 $_size_execute0_lowered;
	s5 =	sadd.s32 s5, s7;
	[dreg:$0x0] =	wrdreg $0x0  }
0xaa: {  	s7 =	sshll.u32 s28, $0x1;
	[dreg:$0x2] =	wrdreg s5  }
0xab: {  	[dreg:$0x3] =	wrdreg s7  }
0xac: {  	[dreg:$0x4] =	wrdreg $0xC0  }
0xad: {  	_ =	task [dreg:s9], $0x5FFFF  }
0xae: {  	[dreg:$0x1] =	wrdreg $0xFFFFFFFF  }
0xaf: {  	[dreg:$0x0] =	wrdreg $0x60  }
0xb0: {  	[dreg:$0x2] =	wrdreg s24  }
0xb1: {  	[dreg:$0x3] =	wrdreg s2  }
0xb2: {  	[dreg:$0x4] =	wrdreg s18  }
0xb3: {  	[dreg:$0x5] =	wrdreg s4  }
0xb4: {  	[dreg:$0x6] =	wrdreg $0x9  }
0xb5: {  	_ =	task.clear_ibuf [dreg:s9], $0x7FFFF;
	_ =	strace $0x90000046  }
0xb6: {  	s29 =	simm.s32 $0x9;
	_ =	strace $0x80000048  }
0xb7: {  	_ =	swait.ge [sflag:s29], $0x1  }
0xb8: {  	[sflag:s29] =	ssyncadd.s32 $0xFFFFFFFF  }
0xb9: {  	_ =	strace $0x90000048  }
0xba: {  	_ =	sfence  }
0xbb: {  	s30 =	sld [smem:$0x0];
	_ =	sdelay $0x2  }
0xbc: {  	s31 =	sshll.u32 s1, $0xD;
	s1 =	sshrl.u32 s1, $0x2  }
0xbd: {  	s3 =	sand.u32 $0x4000, s31;
	s1 =	sadd.s32 s1, s30  }
0xbe: {  	s0 =	sor.u32 s3, s0;
	s1 =	sshll.u32 s1, $0x11  }
0xbf: {  	s0 =	sor.u32 s1, s0  }
0xc0: {  	s0 =	sadd.s32 $0x8F2B, s0  }
0xc1: {  	[sflag:s0] =	ssyncadd.remote.s32 $0x1  }
0xc2: {  	_ =	sfence.sel $0xFFFF  }
0xc3: {  	[dreg:$0x0] =	wrdreg $0xFFFFFFFF;
	(pc) =	sbr.abs _section_cstart, $3  }
0xc4: {  	[dreg:$0x1] =	wrdreg $0xFFFFFFFF  }
0xc5: {  	_ =	task.clear_ibuf [dreg:s9], $0x2FFFF;
	_ =	strace $0x9FFFFFFF  }
0xc6: {  	(tm) =	ssettm $0x7FFFFFFF  }
0xc7: {  	_ =	shalt  }
tec
execute0_lowered:
.L_overlay_start_1:
0x0: {  	(tag) =	ssettag $0x1  }
0x1: {  	s0 =	rddreg [dreg:$0x0]  }
0x2: {  	s2 =	rddreg [dreg:$0x1]  }
0x3: {  	s3 =	rddreg [dreg:$0x2];
	s1 =	srdreg.scid  }
0x4: {  	s8 =	rddreg [dreg:$0x3];
	s4 =	stileid.u32;
	s10 =	simm.s32 $0x80  }
0x5: {  	s11 =	simm.s32 $0x100;
	s12 =	simm.s32 $0x3;
	s13 =	simm.s32 $0x40  }
0x6: {  	s15 =	simm.s32 $0x4;
	s17 =	simm.s32 $0x5;
	s19 =	simm.s32 $0x1  }
0x7: {  	s22 =	simm.s32 $0x6180;
	s23 =	simm.s32 $0x140;
	s24 =	simm.s32 $0xA180  }
0x8: {  	s25 =	simm.s32 $0x2;
	s26 =	simm.s32 $0xC180;
	s28 =	simm.s32 $0xCA00  }
0x9: {  	s29 =	simm.s32 $0x6;
	s30 =	simm.s32 $0x0;
	s1 =	sand.u32 $0x1, s1  }
0xa: {  	s5 =	sshll.u32 s4, $0x5;
	s4 =	simm.s32 $0x0;
	s6 =	sshll.u32 s1, $0x4  }
0xb: {  	s1 =	ssub.s32 $0x2, s1;
	[smem:$0x7FF] =	sst s4;
	s9 =	sor.u32 s6, s5  }
0xc: {  	v0 =	vlaneseq.u32;
	s31 =	sshrl.u32 s1, $0x1;
	_ =	strace $0x80000047;
	s0 =	sadd.s32 s9, s0  }
0xd: {  	v0 =	vmul.u32 $0x11, v0;
	s1 =	ssub.s32 s1, s31;
	s8 =	sadd.s32 s8, s9;
	s5 =	sadd.s32 $0xA00, s0  }
0xe: {  	s6 =	sadd.s32 $0x800, s0;
	s7 =	sadd.s32 $0x600, s0;
	s9 =	smax.u32 s1, $0x1  }
.LBB2_1:
0xf: {  	[tilespmem:s4], [sflag:$0x3] =	stream.linear.gather [hbm4b:s5+s4], $0x80, $0x38;
	[tilespmem:$0xCA80] =	vst v63  }
0x10: {  	_ = 	snop  }
0x11: {  	[tilespmem:s10], [sflag:$0x4] =	stream.linear.gather [hbm4b:s6+s4], $0x80, $0x38;
	[tilespmem:$0xCA80] =	vst v63  }
0x12: {  	_ = 	snop  }
0x13: {  	[tilespmem:s11], [sflag:$0x5] =	stream.linear.gather [hbm4b:s7+s4], $0x80, $0x38;
	[tilespmem:$0xCA80] =	vst v63  }
0x14: {  	_ =	swait.ge [sflag:s12], $0x80  }
0x15: {  	[sflag:s12] =	ssyncset.done $0x0  }
0x16: {  	s0 =	simm.s32 $0x180;
	[sflag:s12] =	ssyncadd.s32 $0xFFFFFF80  }
0x17: {  	[tilespmem:s0], [sflag:$0x1] =	stream.indirect.gather [hbm4b:s2+s13], $0x80, s4, s13, $0xb8;
	[tilespmem:$0xCA80] =	vst v63  }
0x18: {  	_ =	swait.ge [sflag:s15], $0x80  }
0x19: {  	[sflag:s15] =	ssyncset.done $0x0  }
0x1a: {  	s16 =	simm.s32 $0x4180;
	[sflag:s15] =	ssyncadd.s32 $0xFFFFFF80  }
0x1b: {  	[tilespmem:s16], [sflag:$0x1] =	stream.indirect.gather [hbm4b:s3+s13], $0x80, s10, s13, $0xb8;
	[tilespmem:$0xCA80] =	vst v63  }
0x1c: {  	_ =	swait.ge [sflag:s17], $0x80  }
0x1d: {  	[sflag:s17] =	ssyncset.done $0x0  }
0x1e: {  	s18 =	simm.s32 $0x8180;
	[sflag:s17] =	ssyncadd.s32 $0xFFFFFF80  }
0x1f: {  	[tilespmem:s18], [sflag:$0x1] =	stream.indirect.gather [hbm4b:s2+s13], $0x80, s11, s13, $0xb8;
	[tilespmem:$0xCA80] =	vst v63  }
0x20: {  	_ =	swait.ge [sflag:s19], $0x2000  }
0x21: {  	[sflag:s19] =	ssyncset.done $0x0  }
0x22: {  	[sflag:s19] =	ssyncadd.s32 $0xFFFFE000  }
0x23: {  	_ =	swait.ge [sflag:s19], $0x2000  }
0x24: {  	[sflag:s19] =	ssyncset.done $0x0  }
0x25: {  	[sflag:s19] =	ssyncadd.s32 $0xFFFFE000  }
0x26: {  	_ =	swait.ge [sflag:s19], $0x2000  }
0x27: {  	[sflag:s19] =	ssyncset.done $0x0  }
0x28: {  	s20 =	simm.s32 $0x2180;
	[sflag:s19] =	ssyncadd.s32 $0xFFFFE000  }
0x29: {  	[tilespmem:s20], [sflag:$0x2] =	stream.indirect.gather [hbm4b:s2+s13], $0x80, s13, s13, $0xb8;
	[tilespmem:$0xCA80] =	vst v63  }
0x2a: {  	s21 =	simm.s32 $0xC0  }
0x2b: {  	[tilespmem:s22], [sflag:$0x2] =	stream.indirect.gather [hbm4b:s3+s13], $0x80, s21, s13, $0xb8;
	[tilespmem:$0xCA80] =	vst v63  }
0x2c: {  	s31 =	simm.s32 $0x8200  }
0x2d: {  	[tilespmem:s24], [sflag:$0x2] =	stream.indirect.gather [hbm4b:s2+s13], $0x80, s23, s13, $0xb8;
	[tilespmem:$0xCA80] =	vst v63  }
0x2e: {  	v1 =	vld [tilespmem:s31+$0xFFFFFFA0]  }
0x2f: {  	v2 =	vld [tilespmem:s31+$0xFFFFFF80]  }
0x30: {  	s1 =	simm.s32 $0x4200;
	v3 =	vld [tilespmem:s31+$0xFFFFFF90]  }
0x31: {  	s0 =	simm.s32 $0x200;
	v4 =	vld [tilespmem:s1+$0xFFFFFF80]  }
0x32: {  	v5 =	vld [tilespmem:s0+$0xFFFFFF90]  }
0x33: {  	v6 =	vld [tilespmem:s1+$0xFFFFFF90]  }
0x34: {  	v7 =	vld [tilespmem:s0+$0xFFFFFF80]  }
0x35: {  	v8 =	vld [tilespmem:s0+$0xFFFFFFA0]  }
0x36: {  	v9 =	vld [tilespmem:s1+$0xFFFFFFA0]  }
0x37: {  	v10 =	vld [tilespmem:s1+$0xFFFFFFC0]  }
0x38: {  	v11 =	vld [tilespmem:s1+$0xFFFFFFD0]  }
0x39: {  	v12 =	vld [tilespmem:s1+$0xFFFFFFE0]  }
0x3a: {  	v13 =	vld [tilespmem:s1+$0xFFFFFFF0]  }
0x3b: {  	v14 =	vld [tilespmem:s1+$0xFFFFFFB0]  }
0x3c: {  	v15 =	vld [tilespmem:s0+$0xFFFFFFB0]  }
0x3d: {  	v5 =	vadd.f32 v6, v5;
	v4 =	vadd.f32 v4, v7;
	v6 =	vld [tilespmem:s0+$0xFFFFFFC0]  }
0x3e: {  	v7 =	vadd.f32 v9, v8;
	v8 =	vld [tilespmem:s31+$0xFFFFFFB0]  }
0x3f: {  	v2 =	vsub.f32 v4, v2;
	v3 =	vsub.f32 v5, v3;
	v4 =	vld [tilespmem:s31+$0xFFFFFFC0]  }
0x40: {  	v1 =	vsub.f32 v7, v1;
	v5 =	vld [tilespmem:s0+$0xFFFFFFD0]  }
0x41: {  	v9 =	vld [tilespmem:s0+$0xFFFFFFE0];
	v7 =	vadd.f32 v14, v15;
	v2 =	vand.u32 $0x7FFFFFFF, v2;
	v3 =	vand.u32 $0x7FFFFFFF, v3  }
0x42: {  	v2 =	vadd.f32 v3, v2;
	v3 =	vld [tilespmem:s31+$0xFFFFFFD0]  }
0x43: {  	v1 =	vand.u32 $0x7FFFFFFF, v1;
	v6 =	vadd.f32 v10, v6;
	v7 =	vsub.f32 v7, v8;
	v8 =	vld [tilespmem:s31+$0xFFFFFFE0]  }
0x44: {  	v1 =	vadd.f32 v1, v2;
	v2 =	vld [tilespmem:s0+$0xFFFFFFF0]  }
0x45: {  	v4 =	vsub.f32 v6, v4;
	v6 =	vand.u32 $0x7FFFFFFF, v7;
	v5 =	vadd.f32 v11, v5  }
0x46: {  	v1 =	vadd.f32 v6, v1;
	v6 =	vld [tilespmem:s31+$0xFFFFFFF0]  }
0x47: {  	v7 =	vadd.f32 v12, v9;
	v4 =	vand.u32 $0x7FFFFFFF, v4;
	v3 =	vsub.f32 v5, v3  }
0x48: {  	v1 =	vadd.f32 v4, v1  }
0x49: {  	v4 =	vsub.f32 v7, v8;
	v3 =	vand.u32 $0x7FFFFFFF, v3;
	v2 =	vadd.f32 v13, v2  }
0x4a: {  	v1 =	vadd.f32 v3, v1  }
0x4b: {  	v3 =	vand.u32 $0x7FFFFFFF, v4;
	v2 =	vsub.f32 v2, v6  }
0x4c: {  	v1 =	vadd.f32 v3, v1  }
0x4d: {  	v2 =	vand.u32 $0x7FFFFFFF, v2  }
0x4e: {  	v1 =	vadd.f32 v2, v1;
	_ =	sdelay $0x1  }
0x4f: {  	[tilespmem:s26+$0x0] =	vst v1  }
0x50: {  	v4 =	vld [tilespmem:s0+$0x0]  }
0x51: {  	v5 =	vld [tilespmem:s1+$0x0]  }
0x52: {  	v6 =	vld [tilespmem:s0+$0x10]  }
0x53: {  	v7 =	vld [tilespmem:s31+$0x0]  }
0x54: {  	v1 =	vld [tilespmem:s1+$0x70]  }
0x55: {  	v2 =	vld [tilespmem:s1+$0x60]  }
0x56: {  	v3 =	vld [tilespmem:s1+$0x50]  }
0x57: {  	v8 =	vld [tilespmem:s1+$0x40]  }
0x58: {  	v9 =	vld [tilespmem:s1+$0x30]  }
0x59: {  	v10 =	vld [tilespmem:s1+$0x20]  }
0x5a: {  	v11 =	vld [tilespmem:s1+$0x10]  }
0x5b: {  	v58 =	vld [tilespmem:s0+$0x20]  }
0x5c: {  	v59 =	vld [tilespmem:s31+$0x10]  }
0x5d: {  	v60 =	vld [tilespmem:s31+$0x20]  }
0x5e: {  	v61 =	vld [tilespmem:s0+$0x30]  }
0x5f: {  	v4 =	vadd.f32 v5, v4;
	v5 =	vadd.f32 v11, v6;
	v11 =	vld [tilespmem:s0+$0x40]  }
0x60: {  	v6 =	vadd.f32 v10, v58;
	v10 =	vld [tilespmem:s31+$0x30]  }
0x61: {  	v62 =	vld [tilespmem:s31+$0x40];
	v4 =	vsub.f32 v4, v7;
	v5 =	vsub.f32 v5, v59  }
0x62: {  	v7 =	vsub.f32 v6, v60;
	v6 =	vld [tilespmem:s0+$0x50]  }
0x63: {  	v9 =	vadd.f32 v9, v61;
	v63 =	vand.u32 $0x7FFFFFFF, v4;
	v5 =	vand.u32 $0x7FFFFFFF, v5;
	v4 =	vld [tilespmem:s0+$0x60]  }
0x64: {  	v13 =	vadd.f32 v5, v63;
	v8 =	vadd.f32 v8, v11;
	v5 =	vld [tilespmem:s31+$0x50]  }
0x65: {  	s14 =	simm.s32 $0x0;
	s16 =	simm.s32 $0x4300;
	v14 =	vand.u32 $0x7FFFFFFF, v7;
	v7 =	vld [tilespmem:s31+$0x60];
	v11 =	vsub.f32 v9, v10  }
0x66: {  	s18 =	simm.s32 $0x8300;
	s20 =	simm.s32 $0xC180;
	s1 =	simm.s32 $0xC180;
	v10 =	vadd.f32 v14, v13;
	v9 =	vsub.f32 v8, v62;
	v8 =	vld [tilespmem:s0+$0x70]  }
.LBB2_2:
0x67: {  	s14 =	sadd.s32 $0x2, s14;
	v11 =	vand.u32 $0x7FFFFFFF, v11;
	v3 =	vadd.f32 v3, v6;
	s20 =	sadd.s32 $0x22, s20;
	s0 =	sadd.s32 $0x100, s0  }
0x68: {  	p0 =	slt.u32 s14, $0x3E;
	v6 =	vadd.f32 v11, v10;
	v2 =	vadd.f32 v2, v4;
	v4 =	vld [tilespmem:s31+$0x70];
	s31 =	smov.u32 s18  }
0x69: {  	v9 =	vand.u32 $0x7FFFFFFF, v9;
	v3 =	vsub.f32 v3, v5  }
0x6a: {  	v5 =	vadd.f32 v9, v6;
	v2 =	vsub.f32 v2, v7  }
0x6b: {  	v3 =	vand.u32 $0x7FFFFFFF, v3;
	v1 =	vadd.f32 v1, v8  }
0x6c: {  	v3 =	vadd.f32 v3, v5  }
0x6d: {  	v2 =	vand.u32 $0x7FFFFFFF, v2;
	v1 =	vsub.f32 v1, v4  }
0x6e: {  	v2 =	vadd.f32 v2, v3  }
0x6f: {  	v1 =	vand.u32 $0x7FFFFFFF, v1  }
0x70: {  	v1 =	vadd.f32 v1, v2;
	_ =	sdelay $0x1  }
0x71: {  	[tilespmem:s1+$0x11] =	vst v1;
	s1 =	smov.u32 s20  }
0x72: {  	v1 =	vld [tilespmem:s18+$0xFFFFFFA0]  }
0x73: {  	v2 =	vld [tilespmem:s18+$0xFFFFFF80]  }
0x74: {  	v3 =	vld [tilespmem:s18+$0xFFFFFF90]  }
0x75: {  	v4 =	vld [tilespmem:s16+$0xFFFFFF80]  }
0x76: {  	v5 =	vld [tilespmem:s0+$0xFFFFFF90]  }
0x77: {  	v6 =	vld [tilespmem:s16+$0xFFFFFF90]  }
0x78: {  	v7 =	vld [tilespmem:s0+$0xFFFFFF80]  }
0x79: {  	v8 =	vld [tilespmem:s0+$0xFFFFFFA0]  }
0x7a: {  	v9 =	vld [tilespmem:s16+$0xFFFFFFA0]  }
0x7b: {  	v10 =	vld [tilespmem:s16+$0xFFFFFFC0]  }
0x7c: {  	v11 =	vld [tilespmem:s16+$0xFFFFFFD0]  }
0x7d: {  	v12 =	vld [tilespmem:s16+$0xFFFFFFE0]  }
0x7e: {  	v13 =	vld [tilespmem:s16+$0xFFFFFFF0]  }
0x7f: {  	v8 =	vadd.f32 v9, v8;
	v9 =	vld [tilespmem:s16+$0xFFFFFFB0]  }
0x80: {  	v5 =	vadd.f32 v6, v5;
	v6 =	vld [tilespmem:s0+$0xFFFFFFB0]  }
0x81: {  	v4 =	vadd.f32 v4, v7;
	v1 =	vsub.f32 v8, v1;
	v7 =	vld [tilespmem:s0+$0xFFFFFFC0]  }
0x82: {  	v8 =	vld [tilespmem:s18+$0xFFFFFFB0]  }
0x83: {  	v3 =	vsub.f32 v5, v3;
	v2 =	vsub.f32 v4, v2;
	v4 =	vld [tilespmem:s18+$0xFFFFFFC0]  }
0x84: {  	v5 =	vld [tilespmem:s0+$0xFFFFFFD0]  }
0x85: {  	v3 =	vand.u32 $0x7FFFFFFF, v3;
	v2 =	vand.u32 $0x7FFFFFFF, v2;
	v6 =	vadd.f32 v9, v6;
	v9 =	vld [tilespmem:s0+$0xFFFFFFE0]  }
0x86: {  	v2 =	vadd.f32 v3, v2;
	v3 =	vadd.f32 v10, v7;
	v7 =	vld [tilespmem:s18+$0xFFFFFFD0]  }
0x87: {  	v1 =	vand.u32 $0x7FFFFFFF, v1;
	v6 =	vsub.f32 v6, v8;
	v8 =	vld [tilespmem:s18+$0xFFFFFFE0]  }
0x88: {  	v1 =	vadd.f32 v1, v2;
	v2 =	vsub.f32 v3, v4;
	v3 =	vld [tilespmem:s0+$0xFFFFFFF0]  }
0x89: {  	v4 =	vand.u32 $0x7FFFFFFF, v6;
	v5 =	vadd.f32 v11, v5  }
0x8a: {  	v1 =	vadd.f32 v4, v1;
	v4 =	vadd.f32 v12, v9;
	v6 =	vld [tilespmem:s18+$0xFFFFFFF0]  }
0x8b: {  	v2 =	vand.u32 $0x7FFFFFFF, v2;
	v5 =	vsub.f32 v5, v7  }
0x8c: {  	v1 =	vadd.f32 v2, v1;
	v2 =	vsub.f32 v4, v8  }
0x8d: {  	v4 =	vand.u32 $0x7FFFFFFF, v5;
	v3 =	vadd.f32 v13, v3  }
0x8e: {  	v1 =	vadd.f32 v4, v1  }
0x8f: {  	v2 =	vand.u32 $0x7FFFFFFF, v2;
	v3 =	vsub.f32 v3, v6  }
0x90: {  	v1 =	vadd.f32 v2, v1  }
0x91: {  	v2 =	vand.u32 $0x7FFFFFFF, v3  }
0x92: {  	v1 =	vadd.f32 v2, v1;
	_ =	sdelay $0x1  }
0x93: {  	[tilespmem:s20+$0x0] =	vst v1  }
0x94: {  	v2 =	vld [tilespmem:s0+$0x0]  }
0x95: {  	v3 =	vld [tilespmem:s16+$0x0]  }
0x96: {  	v4 =	vld [tilespmem:s0+$0x10]  }
0x97: {  	v5 =	vld [tilespmem:s18+$0x0];
	_ =	sdelay $0x1  }
0x98: {  	v1 =	vld [tilespmem:s16+$0x70]  }
0x99: {  	v6 =	vadd.f32 v3, v2;
	v2 =	vld [tilespmem:s16+$0x60]  }
0x9a: {  	v3 =	vld [tilespmem:s16+$0x50]  }
0x9b: {  	v5 =	vsub.f32 v6, v5;
	v7 =	vld [tilespmem:s16+$0x40]  }
0x9c: {  	v8 =	vld [tilespmem:s16+$0x30]  }
0x9d: {  	v6 =	vld [tilespmem:s16+$0x20]  }
0x9e: {  	v5 =	vand.u32 $0x7FFFFFFF, v5;
	v9 =	vld [tilespmem:s16+$0x10]  }
0x9f: {  	v10 =	vld [tilespmem:s0+$0x20]  }
0xa0: {  	v11 =	vld [tilespmem:s18+$0x10]  }
0xa1: {  	v12 =	vld [tilespmem:s18+$0x20]  }
0xa2: {  	v13 =	vld [tilespmem:s0+$0x30]  }
0xa3: {  	v4 =	vadd.f32 v9, v4;
	v9 =	vld [tilespmem:s0+$0x40]  }
0xa4: {  	v6 =	vadd.f32 v6, v10;
	v10 =	vld [tilespmem:s18+$0x30]  }
0xa5: {  	v4 =	vsub.f32 v4, v11;
	v14 =	vld [tilespmem:s18+$0x40]  }
.Ltmp0:
0xa6: {  	v11 =	vsub.f32 v6, v12;
	v6 =	vld [tilespmem:s0+$0x50];
	(pc) =	sbr.rel @p0 .LBB2_2-.Ltmp0, $4  }
0xa7: {  	v12 =	vand.u32 $0x7FFFFFFF, v4;
	v8 =	vadd.f32 v8, v13;
	v4 =	vld [tilespmem:s0+$0x60]  }
0xa8: {  	v12 =	vadd.f32 v12, v5;
	v9 =	vadd.f32 v7, v9;
	v5 =	vld [tilespmem:s18+$0x50]  }
0xa9: {  	v13 =	vand.u32 $0x7FFFFFFF, v11;
	v11 =	vsub.f32 v8, v10;
	v7 =	vld [tilespmem:s18+$0x60]  }
0xaa: {  	s16 =	sadd.s32 $0x100, s16;
	s18 =	sadd.s32 $0x100, s18;
	v10 =	vadd.f32 v13, v12;
	v9 =	vsub.f32 v9, v14;
	v8 =	vld [tilespmem:s0+$0x70]  }
0xab: {  	v11 =	vand.u32 $0x7FFFFFFF, v11;
	v3 =	vadd.f32 v3, v6  }
0xac: {  	v6 =	vadd.f32 v11, v10;
	v10 =	vld [tilespmem:s31+$0x70]  }
0xad: {  	v2 =	vadd.f32 v2, v4;
	v4 =	vand.u32 $0x7FFFFFFF, v9;
	v3 =	vsub.f32 v3, v5  }
0xae: {  	v4 =	vadd.f32 v4, v6  }
0xaf: {  	v2 =	vsub.f32 v2, v7;
	v3 =	vand.u32 $0x7FFFFFFF, v3;
	v1 =	vadd.f32 v1, v8  }
0xb0: {  	v3 =	vadd.f32 v3, v4  }
0xb1: {  	v2 =	vand.u32 $0x7FFFFFFF, v2;
	v1 =	vsub.f32 v1, v10  }
0xb2: {  	v2 =	vadd.f32 v2, v3  }
0xb3: {  	v1 =	vand.u32 $0x7FFFFFFF, v1  }
0xb4: {  	v1 =	vadd.f32 v1, v2;
	_ =	sdelay $0x1  }
0xb5: {  	[tilespmem:s1+$0x11] =	vst v1  }
0xb6: {  	_ =	swait.ge [sflag:s25], $0x2000  }
0xb7: {  	[sflag:s25] =	ssyncset.done $0x0  }
0xb8: {  	[sflag:s25] =	ssyncadd.s32 $0xFFFFE000  }
0xb9: {  	_ =	swait.ge [sflag:s25], $0x2000  }
0xba: {  	[sflag:s25] =	ssyncset.done $0x0  }
0xbb: {  	[sflag:s25] =	ssyncadd.s32 $0xFFFFE000  }
0xbc: {  	_ =	swait.ge [sflag:s25], $0x2000  }
0xbd: {  	[sflag:s25] =	ssyncset.done $0x0  }
0xbe: {  	s0 =	simm.s32 $0xA270;
	[sflag:s25] =	ssyncadd.s32 $0xFFFFE000  }
0xbf: {  	v1 =	vld [tilespmem:s0+$0xFFFFFF30]  }
0xc0: {  	v2 =	vld [tilespmem:s0+$0xFFFFFF10]  }
0xc1: {  	s21 =	simm.s32 $0x6270;
	v3 =	vld [tilespmem:s0+$0xFFFFFF20]  }
0xc2: {  	s31 =	simm.s32 $0x2270;
	v4 =	vld [tilespmem:s21+$0xFFFFFF10]  }
0xc3: {  	v5 =	vld [tilespmem:s31+$0xFFFFFF20]  }
0xc4: {  	v6 =	vld [tilespmem:s21+$0xFFFFFF20]  }
0xc5: {  	v7 =	vld [tilespmem:s31+$0xFFFFFF10]  }
0xc6: {  	v8 =	vld [tilespmem:s31+$0xFFFFFF30]  }
0xc7: {  	v9 =	vld [tilespmem:s21+$0xFFFFFF30]  }
0xc8: {  	v10 =	vld [tilespmem:s21+$0xFFFFFF50]  }
0xc9: {  	v11 =	vld [tilespmem:s21+$0xFFFFFF60]  }
0xca: {  	v12 =	vld [tilespmem:s21+$0xFFFFFF70]  }
0xcb: {  	v13 =	vld [tilespmem:s21+$0xFFFFFF80]  }
0xcc: {  	v14 =	vld [tilespmem:s21+$0xFFFFFF40]  }
0xcd: {  	v15 =	vld [tilespmem:s31+$0xFFFFFF40]  }
0xce: {  	v5 =	vadd.f32 v6, v5;
	v4 =	vadd.f32 v4, v7;
	v6 =	vld [tilespmem:s31+$0xFFFFFF50]  }
0xcf: {  	v7 =	vadd.f32 v9, v8;
	v8 =	vld [tilespmem:s0+$0xFFFFFF40]  }
0xd0: {  	v2 =	vsub.f32 v4, v2;
	v3 =	vsub.f32 v5, v3;
	v4 =	vld [tilespmem:s0+$0xFFFFFF50]  }
0xd1: {  	v1 =	vsub.f32 v7, v1;
	v5 =	vld [tilespmem:s31+$0xFFFFFF60]  }
0xd2: {  	v9 =	vld [tilespmem:s31+$0xFFFFFF70];
	v7 =	vadd.f32 v14, v15;
	v2 =	vand.u32 $0x7FFFFFFF, v2;
	v3 =	vand.u32 $0x7FFFFFFF, v3  }
0xd3: {  	v2 =	vadd.f32 v3, v2;
	v3 =	vld [tilespmem:s0+$0xFFFFFF60]  }
0xd4: {  	v1 =	vand.u32 $0x7FFFFFFF, v1;
	v6 =	vadd.f32 v10, v6;
	v7 =	vsub.f32 v7, v8;
	v8 =	vld [tilespmem:s0+$0xFFFFFF70]  }
0xd5: {  	v1 =	vadd.f32 v1, v2;
	v2 =	vld [tilespmem:s31+$0xFFFFFF80]  }
0xd6: {  	v4 =	vsub.f32 v6, v4;
	v6 =	vand.u32 $0x7FFFFFFF, v7;
	v5 =	vadd.f32 v11, v5  }
0xd7: {  	v1 =	vadd.f32 v6, v1;
	v6 =	vld [tilespmem:s0+$0xFFFFFF80]  }
0xd8: {  	v7 =	vadd.f32 v12, v9;
	v4 =	vand.u32 $0x7FFFFFFF, v4;
	v3 =	vsub.f32 v5, v3  }
0xd9: {  	v1 =	vadd.f32 v4, v1  }
0xda: {  	v4 =	vsub.f32 v7, v8;
	v3 =	vand.u32 $0x7FFFFFFF, v3;
	v2 =	vadd.f32 v13, v2  }
0xdb: {  	v1 =	vadd.f32 v3, v1  }
0xdc: {  	v3 =	vand.u32 $0x7FFFFFFF, v4;
	v2 =	vsub.f32 v2, v6  }
0xdd: {  	v1 =	vadd.f32 v3, v1  }
0xde: {  	v2 =	vand.u32 $0x7FFFFFFF, v2  }
0xdf: {  	v1 =	vadd.f32 v2, v1  }
0xe0: {  	s14 =	simm.s32 $0xC5C0  }
0xe1: {  	[tilespmem:s14+$0x0] =	vst v1  }
0xe2: {  	v5 =	vld [tilespmem:s31+$0xFFFFFF90]  }
0xe3: {  	v6 =	vld [tilespmem:s21+$0xFFFFFF90]  }
0xe4: {  	v7 =	vld [tilespmem:s31+$0xFFFFFFA0]  }
0xe5: {  	v8 =	vld [tilespmem:s0+$0xFFFFFF90]  }
0xe6: {  	v1 =	vld [tilespmem:s0+$0x0]  }
0xe7: {  	v2 =	vld [tilespmem:s21+$0x0]  }
0xe8: {  	v3 =	vld [tilespmem:s21+$0xFFFFFFF0]  }
0xe9: {  	v4 =	vld [tilespmem:s21+$0xFFFFFFE0]  }
0xea: {  	v9 =	vld [tilespmem:s21+$0xFFFFFFD0]  }
0xeb: {  	v10 =	vld [tilespmem:s21+$0xFFFFFFC0]  }
0xec: {  	v11 =	vld [tilespmem:s21+$0xFFFFFFB0]  }
0xed: {  	v12 =	vld [tilespmem:s21+$0xFFFFFFA0]  }
0xee: {  	v13 =	vld [tilespmem:s31+$0xFFFFFFB0]  }
0xef: {  	v14 =	vld [tilespmem:s0+$0xFFFFFFA0]  }
0xf0: {  	v16 =	vld [tilespmem:s31+$0xFFFFFFC0]  }
0xf1: {  	v15 =	vld [tilespmem:s0+$0xFFFFFFB0]  }
0xf2: {  	v5 =	vadd.f32 v6, v5;
	v6 =	vadd.f32 v12, v7;
	v7 =	vld [tilespmem:s31+$0xFFFFFFD0]  }
0xf3: {  	v11 =	vadd.f32 v11, v13;
	v12 =	vld [tilespmem:s0+$0xFFFFFFC0]  }
0xf4: {  	v13 =	vld [tilespmem:s0+$0xFFFFFFD0];
	v8 =	vsub.f32 v5, v8;
	v6 =	vsub.f32 v6, v14  }
0xf5: {  	v10 =	vadd.f32 v10, v16;
	v5 =	vld [tilespmem:s31+$0xFFFFFFE0]  }
0xf6: {  	v11 =	vsub.f32 v11, v15;
	v8 =	vand.u32 $0x7FFFFFFF, v8;
	v14 =	vand.u32 $0x7FFFFFFF, v6;
	v6 =	vld [tilespmem:s31+$0xFFFFFFF0]  }
0xf7: {  	v14 =	vadd.f32 v14, v8;
	v9 =	vadd.f32 v9, v7;
	v7 =	vld [tilespmem:s0+$0xFFFFFFE0]  }
0xf8: {  	s18 =	simm.s32 $0x40;
	s20 =	simm.s32 $0x6370;
	v11 =	vand.u32 $0x7FFFFFFF, v11;
	v12 =	vsub.f32 v10, v12;
	v8 =	vld [tilespmem:s31+$0x0]  }
0xf9: {  	s16 =	simm.s32 $0xC5C0;
	s1 =	simm.s32 $0xF;
	s21 =	simm.s32 $0xA370;
	v11 =	vadd.f32 v11, v14;
	v10 =	vsub.f32 v9, v13;
	v9 =	vld [tilespmem:s0+$0xFFFFFFF0]  }
.LBB2_4:
0xfa: {  	s18 =	sadd.s32 $0x2, s18;
	v12 =	vand.u32 $0x7FFFFFFF, v12;
	v4 =	vadd.f32 v4, v5;
	s14 =	sadd.s32 $0x22, s14;
	s31 =	sadd.s32 $0x100, s31  }
0xfb: {  	p0 =	slt.u32 s18, $0x7E;
	v5 =	vadd.f32 v12, v11;
	v3 =	vadd.f32 v3, v6  }
0xfc: {  	v6 =	vand.u32 $0x7FFFFFFF, v10;
	v4 =	vsub.f32 v4, v7  }
0xfd: {  	v5 =	vadd.f32 v6, v5;
	v2 =	vadd.f32 v2, v8  }
0xfe: {  	v4 =	vand.u32 $0x7FFFFFFF, v4;
	v3 =	vsub.f32 v3, v9  }
0xff: {  	v4 =	vadd.f32 v4, v5;
	v1 =	vsub.f32 v2, v1  }
0x100: {  	v2 =	vand.u32 $0x7FFFFFFF, v3  }
0x101: {  	v2 =	vadd.f32 v2, v4  }
0x102: {  	v1 =	vand.u32 $0x7FFFFFFF, v1  }
0x103: {  	v1 =	vadd.f32 v1, v2;
	_ =	sdelay $0x1  }
0x104: {  	[tilespmem:s16+$0x11] =	vst v1;
	s16 =	smov.u32 s14  }
0x105: {  	v1 =	vld [tilespmem:s21+$0xFFFFFF30]  }
0x106: {  	v2 =	vld [tilespmem:s21+$0xFFFFFF10]  }
0x107: {  	v3 =	vld [tilespmem:s21+$0xFFFFFF20]  }
0x108: {  	v4 =	vld [tilespmem:s20+$0xFFFFFF10]  }
0x109: {  	v5 =	vld [tilespmem:s31+$0xFFFFFF20]  }
0x10a: {  	v6 =	vld [tilespmem:s20+$0xFFFFFF20]  }
0x10b: {  	v7 =	vld [tilespmem:s31+$0xFFFFFF10]  }
0x10c: {  	v8 =	vld [tilespmem:s31+$0xFFFFFF30]  }
0x10d: {  	v9 =	vld [tilespmem:s20+$0xFFFFFF30]  }
0x10e: {  	v10 =	vld [tilespmem:s20+$0xFFFFFF50]  }
0x10f: {  	v11 =	vld [tilespmem:s20+$0xFFFFFF60]  }
0x110: {  	v12 =	vld [tilespmem:s20+$0xFFFFFF70]  }
0x111: {  	v13 =	vld [tilespmem:s20+$0xFFFFFF80]  }
0x112: {  	v8 =	vadd.f32 v9, v8;
	v9 =	vld [tilespmem:s20+$0xFFFFFF40]  }
0x113: {  	v5 =	vadd.f32 v6, v5;
	v6 =	vld [tilespmem:s31+$0xFFFFFF40]  }
0x114: {  	v4 =	vadd.f32 v4, v7;
	v1 =	vsub.f32 v8, v1;
	v7 =	vld [tilespmem:s31+$0xFFFFFF50]  }
0x115: {  	v8 =	vld [tilespmem:s21+$0xFFFFFF40]  }
0x116: {  	v3 =	vsub.f32 v5, v3;
	v2 =	vsub.f32 v4, v2;
	v4 =	vld [tilespmem:s21+$0xFFFFFF50]  }
0x117: {  	v5 =	vld [tilespmem:s31+$0xFFFFFF60]  }
0x118: {  	v3 =	vand.u32 $0x7FFFFFFF, v3;
	v2 =	vand.u32 $0x7FFFFFFF, v2;
	v6 =	vadd.f32 v9, v6;
	v9 =	vld [tilespmem:s31+$0xFFFFFF70]  }
0x119: {  	v2 =	vadd.f32 v3, v2;
	v3 =	vadd.f32 v10, v7;
	v7 =	vld [tilespmem:s21+$0xFFFFFF60]  }
0x11a: {  	v1 =	vand.u32 $0x7FFFFFFF, v1;
	v6 =	vsub.f32 v6, v8;
	v8 =	vld [tilespmem:s21+$0xFFFFFF70]  }
0x11b: {  	v1 =	vadd.f32 v1, v2;
	v2 =	vsub.f32 v3, v4;
	v3 =	vld [tilespmem:s31+$0xFFFFFF80]  }
0x11c: {  	v4 =	vand.u32 $0x7FFFFFFF, v6;
	v5 =	vadd.f32 v11, v5  }
0x11d: {  	v1 =	vadd.f32 v4, v1;
	v4 =	vadd.f32 v12, v9;
	v6 =	vld [tilespmem:s21+$0xFFFFFF80]  }
0x11e: {  	v2 =	vand.u32 $0x7FFFFFFF, v2;
	v5 =	vsub.f32 v5, v7  }
0x11f: {  	v1 =	vadd.f32 v2, v1;
	v2 =	vsub.f32 v4, v8  }
0x120: {  	v4 =	vand.u32 $0x7FFFFFFF, v5;
	v3 =	vadd.f32 v13, v3  }
0x121: {  	v1 =	vadd.f32 v4, v1  }
0x122: {  	v2 =	vand.u32 $0x7FFFFFFF, v2;
	v3 =	vsub.f32 v3, v6  }
0x123: {  	v1 =	vadd.f32 v2, v1  }
0x124: {  	v2 =	vand.u32 $0x7FFFFFFF, v3  }
0x125: {  	v1 =	vadd.f32 v2, v1;
	_ =	sdelay $0x1  }
0x126: {  	[tilespmem:s14+$0x0] =	vst v1  }
0x127: {  	v3 =	vld [tilespmem:s31+$0xFFFFFF90]  }
0x128: {  	v4 =	vld [tilespmem:s20+$0xFFFFFF90]  }
0x129: {  	v5 =	vld [tilespmem:s31+$0xFFFFFFA0]  }
0x12a: {  	v6 =	vld [tilespmem:s21+$0xFFFFFF90]  }
0x12b: {  	v1 =	vld [tilespmem:s21+$0x0]  }
0x12c: {  	v2 =	vld [tilespmem:s20+$0x0]  }
0x12d: {  	v7 =	vadd.f32 v4, v3;
	v3 =	vld [tilespmem:s20+$0xFFFFFFF0]  }
0x12e: {  	v4 =	vld [tilespmem:s20+$0xFFFFFFE0]  }
0x12f: {  	v6 =	vsub.f32 v7, v6;
	v7 =	vld [tilespmem:s20+$0xFFFFFFD0]  }
0x130: {  	v8 =	vld [tilespmem:s20+$0xFFFFFFC0]  }
0x131: {  	v9 =	vld [tilespmem:s20+$0xFFFFFFB0]  }
0x132: {  	v10 =	vand.u32 $0x7FFFFFFF, v6;
	v6 =	vld [tilespmem:s20+$0xFFFFFFA0]  }
0x133: {  	v11 =	vld [tilespmem:s31+$0xFFFFFFB0]  }
0x134: {  	v12 =	vld [tilespmem:s21+$0xFFFFFFA0]  }
0x135: {  	v13 =	vld [tilespmem:s21+$0xFFFFFFB0]  }
0x136: {  	v14 =	vld [tilespmem:s31+$0xFFFFFFC0]  }
0x137: {  	v5 =	vadd.f32 v6, v5;
	v15 =	vld [tilespmem:s31+$0xFFFFFFD0]  }
0x138: {  	v6 =	vadd.f32 v9, v11;
	v9 =	vld [tilespmem:s21+$0xFFFFFFC0]  }
0x139: {  	v11 =	vsub.f32 v5, v12;
	v16 =	vld [tilespmem:s21+$0xFFFFFFD0]  }
.Ltmp1:
0x13a: {  	v12 =	vsub.f32 v6, v13;
	v5 =	vld [tilespmem:s31+$0xFFFFFFE0];
	(pc) =	sbr.rel @p0 .LBB2_4-.Ltmp1, $4  }
0x13b: {  	v11 =	vand.u32 $0x7FFFFFFF, v11;
	v8 =	vadd.f32 v8, v14;
	v6 =	vld [tilespmem:s31+$0xFFFFFFF0]  }
0x13c: {  	v10 =	vadd.f32 v11, v10;
	v13 =	vadd.f32 v7, v15;
	v7 =	vld [tilespmem:s21+$0xFFFFFFE0]  }
0x13d: {  	s0 =	simm.s32 $0xCA00;
	v11 =	vand.u32 $0x7FFFFFFF, v12;
	v12 =	vsub.f32 v8, v9;
	v8 =	vld [tilespmem:s31+$0x0]  }
0x13e: {  	s20 =	sadd.s32 $0x100, s20;
	v11 =	vadd.f32 v11, v10;
	v10 =	vsub.f32 v13, v16;
	v9 =	vld [tilespmem:s21+$0xFFFFFFF0];
	s21 =	sadd.s32 $0x100, s21  }
0x13f: {  	v12 =	vand.u32 $0x7FFFFFFF, v12;
	v4 =	vadd.f32 v4, v5  }
0x140: {  	v28 =	vadd.f32 v12, v11  }
0x141: {  	v3 =	vadd.f32 v3, v6;
	v29 =	vand.u32 $0x7FFFFFFF, v10;
	v4 =	vsub.f32 v4, v7  }
0x142: {  	v5 =	vadd.f32 v29, v28  }
0x143: {  	v2 =	vadd.f32 v2, v8;
	v4 =	vand.u32 $0x7FFFFFFF, v4;
	v3 =	vsub.f32 v3, v9  }
0x144: {  	v4 =	vadd.f32 v4, v5  }
0x145: {  	s14 =	simm.s32 $0x0;
	v1 =	vsub.f32 v2, v1;
	v2 =	vand.u32 $0x7FFFFFFF, v3  }
0x146: {  	v3 =	vadd.s32 s14, v0;
	v2 =	vadd.f32 v2, v4  }
0x147: {  	s20 =	simm.s32 $0x1;
	v1 =	vand.u32 $0x7FFFFFFF, v1  }
0x148: {  	v1 =	vadd.f32 v1, v2;
	v2 =	vadd.s32 s20, v0  }
0x149: {  	s21 =	simm.s32 $0x2  }
0x14a: {  	[tilespmem:s16+$0x11] =	vst v1;
	v1 =	vadd.s32 s21, v0  }
0x14b: {  	s31 =	simm.s32 $0x3;
	v3 =	vld.idx.msk [tilespmem:v3+s26+$0x0], $0xffff  }
0x14c: {  	v30 =	vadd.s32 s31, v0  }
0x14d: {  	s16 =	simm.s32 $0x4;
	v2 =	vld.idx.msk [tilespmem:v2+s26+$0x0], $0xffff  }
0x14e: {  	v31 =	vadd.s32 s16, v0  }
0x14f: {  	s18 =	simm.s32 $0x5;
	v1 =	vld.idx.msk [tilespmem:v1+s26+$0x0], $0xffff  }
0x150: {  	v32 =	vadd.s32 s18, v0;
	v3 =	vadd.f32 $0.0e+00, v3  }
0x151: {  	s20 =	simm.s32 $0x6;
	v4 =	vld.idx.msk [tilespmem:v30+s26+$0x0], $0xffff  }
0x152: {  	v33 =	vadd.s32 s20, v0;
	v2 =	vadd.f32 v2, v3  }
0x153: {  	s21 =	simm.s32 $0x7;
	v3 =	vld.idx.msk [tilespmem:v31+s26+$0x0], $0xffff  }
0x154: {  	v34 =	vadd.s32 s21, v0;
	v1 =	vadd.f32 v1, v2  }
0x155: {  	s31 =	simm.s32 $0x8;
	v2 =	vld.idx.msk [tilespmem:v32+s26+$0x0], $0xffff  }
0x156: {  	v35 =	vadd.s32 s31, v0;
	v1 =	vadd.f32 v4, v1  }
0x157: {  	s16 =	simm.s32 $0x9;
	v36 =	vld.idx.msk [tilespmem:v33+s26+$0x0], $0xffff  }
0x158: {  	v37 =	vadd.s32 s16, v0;
	v1 =	vadd.f32 v3, v1  }
0x159: {  	s18 =	simm.s32 $0xA;
	v3 =	vld.idx.msk [tilespmem:v34+s26+$0x0], $0xffff  }
0x15a: {  	v38 =	vadd.s32 s18, v0;
	v1 =	vadd.f32 v2, v1  }
0x15b: {  	s20 =	simm.s32 $0xB;
	v2 =	vld.idx.msk [tilespmem:v35+s26+$0x0], $0xffff  }
0x15c: {  	v39 =	vadd.s32 s20, v0;
	v1 =	vadd.f32 v36, v1  }
0x15d: {  	s21 =	simm.s32 $0xC;
	v40 =	vld.idx.msk [tilespmem:v37+s26+$0x0], $0xffff  }
0x15e: {  	v41 =	vadd.s32 s21, v0;
	v1 =	vadd.f32 v3, v1  }
0x15f: {  	s31 =	simm.s32 $0xD;
	v3 =	vld.idx.msk [tilespmem:v38+s26+$0x0], $0xffff  }
0x160: {  	v42 =	vadd.s32 s31, v0;
	v1 =	vadd.f32 v2, v1  }
0x161: {  	s16 =	simm.s32 $0xE;
	v2 =	vld.idx.msk [tilespmem:v39+s26+$0x0], $0xffff  }
0x162: {  	v43 =	vadd.s32 s16, v0;
	v1 =	vadd.f32 v40, v1  }
0x163: {  	v44 =	vld.idx.msk [tilespmem:v41+s26+$0x0], $0xffff  }
0x164: {  	v45 =	vadd.s32 s1, v0;
	v1 =	vadd.f32 v3, v1  }
0x165: {  	v3 =	vld.idx.msk [tilespmem:v42+s26+$0x0], $0xffff  }
0x166: {  	v1 =	vadd.f32 v2, v1  }
0x167: {  	v2 =	vld.idx.msk [tilespmem:v43+s26+$0x0], $0xffff  }
0x168: {  	v1 =	vadd.f32 v44, v1  }
0x169: {  	v46 =	vld.idx.msk [tilespmem:v45+s26+$0x0], $0xffff  }
0x16a: {  	v1 =	vadd.f32 v3, v1;
	_ =	sdelay $0x1  }
0x16b: {  	v1 =	vadd.f32 v2, v1  }
0x16c: {  	s18 =	simm.s32 $0x110  }
0x16d: {  	v2 =	vadd.s32 s18, v0;
	v1 =	vadd.f32 v46, v1  }
0x16e: {  	s20 =	simm.s32 $0x111  }
0x16f: {  	v3 =	vadd.s32 s20, v0;
	v1 =	vsub.f32 $1.200000000e+01, v1  }
0x170: {  	s21 =	simm.s32 $0x112  }
0x171: {  	v47 =	vadd.s32 s21, v0;
	[tilespmem:s0+$0x0] =	vst v1  }
0x172: {  	s31 =	simm.s32 $0x113;
	v1 =	vld.idx.msk [tilespmem:v2+s26+$0x0], $0xffff  }
0x173: {  	v2 =	vadd.s32 s31, v0  }
0x174: {  	s14 =	simm.s32 $0x114;
	v3 =	vld.idx.msk [tilespmem:v3+s26+$0x0], $0xffff  }
0x175: {  	v48 =	vadd.s32 s14, v0  }
0x176: {  	s16 =	simm.s32 $0x115;
	v4 =	vld.idx.msk [tilespmem:v47+s26+$0x0], $0xffff  }
0x177: {  	v49 =	vadd.s32 s16, v0;
	v1 =	vadd.f32 $0.0e+00, v1  }
0x178: {  	s18 =	simm.s32 $0x116;
	v2 =	vld.idx.msk [tilespmem:v2+s26+$0x0], $0xffff  }
0x179: {  	v50 =	vadd.s32 s18, v0;
	v1 =	vadd.f32 v3, v1  }
0x17a: {  	s20 =	simm.s32 $0x117;
	v3 =	vld.idx.msk [tilespmem:v48+s26+$0x0], $0xffff  }
0x17b: {  	v51 =	vadd.s32 s20, v0;
	v1 =	vadd.f32 v4, v1  }
0x17c: {  	s21 =	simm.s32 $0x118;
	v52 =	vld.idx.msk [tilespmem:v49+s26+$0x0], $0xffff  }
0x17d: {  	v53 =	vadd.s32 s21, v0;
	v1 =	vadd.f32 v2, v1  }
0x17e: {  	s31 =	simm.s32 $0x119;
	v2 =	vld.idx.msk [tilespmem:v50+s26+$0x0], $0xffff  }
0x17f: {  	v54 =	vadd.s32 s31, v0;
	v1 =	vadd.f32 v3, v1  }
0x180: {  	s14 =	simm.s32 $0x11A;
	v3 =	vld.idx.msk [tilespmem:v51+s26+$0x0], $0xffff  }
0x181: {  	v55 =	vadd.s32 s14, v0;
	v1 =	vadd.f32 v52, v1  }
0x182: {  	s16 =	simm.s32 $0x11B;
	v56 =	vld.idx.msk [tilespmem:v53+s26+$0x0], $0xffff  }
0x183: {  	v57 =	vadd.s32 s16, v0;
	v1 =	vadd.f32 v2, v1  }
0x184: {  	s18 =	simm.s32 $0x11C;
	v2 =	vld.idx.msk [tilespmem:v54+s26+$0x0], $0xffff  }
0x185: {  	v58 =	vadd.s32 s18, v0;
	v1 =	vadd.f32 v3, v1  }
0x186: {  	s20 =	simm.s32 $0x11D;
	v3 =	vld.idx.msk [tilespmem:v55+s26+$0x0], $0xffff  }
0x187: {  	v59 =	vadd.s32 s20, v0;
	v1 =	vadd.f32 v56, v1  }
0x188: {  	v60 =	vld.idx.msk [tilespmem:v57+s26+$0x0], $0xffff  }
0x189: {  	s21 =	simm.s32 $0x11E;
	v1 =	vadd.f32 v2, v1  }
0x18a: {  	v61 =	vadd.s32 s21, v0;
	v2 =	vld.idx.msk [tilespmem:v58+s26+$0x0], $0xffff  }
0x18b: {  	s31 =	simm.s32 $0x11F;
	v1 =	vadd.f32 v3, v1  }
0x18c: {  	v62 =	vadd.s32 s31, v0;
	v3 =	vld.idx.msk [tilespmem:v59+s26+$0x0], $0xffff  }
0x18d: {  	v1 =	vadd.f32 v60, v1;
	_ =	sdelay $0x1  }
0x18e: {  	v63 =	vld.idx.msk [tilespmem:v61+s26+$0x0], $0xffff;
	v1 =	vadd.f32 v2, v1;
	_ =	sdelay $0x1  }
0x18f: {  	v2 =	vadd.f32 v3, v1;
	v1 =	vld.idx.msk [tilespmem:v62+s26+$0x0], $0xffff;
	_ =	sdelay $0x2  }
0x190: {  	v2 =	vadd.f32 v63, v2  }
0x191: {  	s1 =	simm.s32 $0x22F;
	s14 =	simm.s32 $0x33F;
	s16 =	simm.s32 $0x220  }
.LBB2_6:
0x192: {  	p0 =	sne.s32 s14, $0x77F;
	v3 =	vadd.s32 s16, v0;
	v1 =	vadd.f32 v1, v2  }
0x193: {  	s16 =	sadd.s32 $0xFFFFFFF2, s1  }
0x194: {  	v2 =	vadd.s32 s16, v0;
	v1 =	vsub.f32 $1.200000000e+01, v1  }
0x195: {  	s0 =	sadd.s32 $0x10, s0;
	s16 =	sadd.s32 $0xFFFFFFF3, s1  }
0x196: {  	v4 =	vadd.s32 s16, v0;
	[tilespmem:s0+$0x0] =	vst v1  }
0x197: {  	s16 =	sadd.s32 $0xFFFFFFF4, s1;
	v1 =	vld.idx.msk [tilespmem:v3+s26+$0x0], $0xffff  }
0x198: {  	v3 =	vadd.s32 s16, v0  }
0x199: {  	s16 =	sadd.s32 $0xFFFFFFF5, s1;
	v2 =	vld.idx.msk [tilespmem:v2+s26+$0x0], $0xffff  }
0x19a: {  	v5 =	vadd.s32 s16, v0  }
0x19b: {  	s16 =	sadd.s32 $0xFFFFFFF6, s1;
	v4 =	vld.idx.msk [tilespmem:v4+s26+$0x0], $0xffff  }
0x19c: {  	v6 =	vadd.s32 s16, v0  }
0x19d: {  	s16 =	sadd.s32 $0xFFFFFFF7, s1;
	v1 =	vadd.f32 $0.0e+00, v1;
	v3 =	vld.idx.msk [tilespmem:v3+s26+$0x0], $0xffff  }
0x19e: {  	v7 =	vadd.s32 s16, v0  }
0x19f: {  	s16 =	sadd.s32 $0xFFFFFFF8, s1;
	v1 =	vadd.f32 v2, v1;
	v2 =	vld.idx.msk [tilespmem:v5+s26+$0x0], $0xffff  }
0x1a0: {  	v5 =	vadd.s32 s16, v0  }
0x1a1: {  	s16 =	sadd.s32 $0xFFFFFFF9, s1;
	v1 =	vadd.f32 v4, v1;
	v4 =	vld.idx.msk [tilespmem:v6+s26+$0x0], $0xffff  }
0x1a2: {  	v6 =	vadd.s32 s16, v0  }
0x1a3: {  	s16 =	sadd.s32 $0xFFFFFFFA, s1;
	v1 =	vadd.f32 v3, v1;
	v3 =	vld.idx.msk [tilespmem:v7+s26+$0x0], $0xffff  }
0x1a4: {  	v7 =	vadd.s32 s16, v0  }
0x1a5: {  	s16 =	sadd.s32 $0xFFFFFFFB, s1;
	v1 =	vadd.f32 v2, v1;
	v2 =	vld.idx.msk [tilespmem:v5+s26+$0x0], $0xffff  }
0x1a6: {  	v5 =	vadd.s32 s16, v0  }
0x1a7: {  	s16 =	sadd.s32 $0xFFFFFFFC, s1;
	v1 =	vadd.f32 v4, v1;
	v4 =	vld.idx.msk [tilespmem:v6+s26+$0x0], $0xffff  }
0x1a8: {  	v6 =	vadd.s32 s16, v0  }
0x1a9: {  	s16 =	sadd.s32 $0xFFFFFFFD, s1;
	v1 =	vadd.f32 v3, v1;
	v3 =	vld.idx.msk [tilespmem:v7+s26+$0x0], $0xffff  }
0x1aa: {  	v7 =	vadd.s32 s16, v0  }
0x1ab: {  	s16 =	sadd.s32 $0xFFFFFFFE, s1;
	v1 =	vadd.f32 v2, v1;
	v2 =	vld.idx.msk [tilespmem:v5+s26+$0x0], $0xffff  }
0x1ac: {  	v5 =	vadd.s32 s16, v0  }
0x1ad: {  	s16 =	sadd.s32 $0xFFFFFFFF, s1;
	v1 =	vadd.f32 v4, v1;
	v4 =	vld.idx.msk [tilespmem:v6+s26+$0x0], $0xffff  }
0x1ae: {  	v6 =	vadd.s32 s16, v0  }
0x1af: {  	v1 =	vadd.f32 v3, v1;
	v3 =	vld.idx.msk [tilespmem:v7+s26+$0x0], $0xffff  }
0x1b0: {  	v7 =	vadd.s32 s1, v0;
	s1 =	smov.u32 s14  }
0x1b1: {  	v1 =	vadd.f32 v2, v1;
	v2 =	vld.idx.msk [tilespmem:v5+s26+$0x0], $0xffff;
	_ =	sdelay $0x1  }
0x1b2: {  	v1 =	vadd.f32 v4, v1;
	v4 =	vld.idx.msk [tilespmem:v6+s26+$0x0], $0xffff;
	_ =	sdelay $0x1  }
0x1b3: {  	v3 =	vadd.f32 v3, v1;
	v1 =	vld.idx.msk [tilespmem:v7+s26+$0x0], $0xffff  }
.Ltmp2:
0x1b4: {  	(pc) =	sbr.rel @p0 .LBB2_6-.Ltmp2, $3  }
0x1b5: {  	v2 =	vadd.f32 v2, v3;
	_ =	sdelay $0x1  }
0x1b6: {  	v2 =	vadd.f32 v4, v2  }
0x1b7: {  	s14 =	sadd.s32 $0x110, s14;
	s16 =	sadd.s32 $0xFFFFFFF1, s1  }
0x1b8: {  	v3 =	vadd.s32 s16, v0;
	v1 =	vadd.f32 v1, v2  }
0x1b9: {  	s14 =	sadd.s32 $0xFFFFFFF2, s1  }
0x1ba: {  	v2 =	vadd.s32 s14, v0;
	v1 =	vsub.f32 $1.200000000e+01, v1  }
0x1bb: {  	s20 =	sadd.s32 $0xFFFFFFF3, s1;
	s0 =	sadd.s32 $0x10, s0  }
0x1bc: {  	v4 =	vadd.s32 s20, v0;
	[tilespmem:s0+$0x0] =	vst v1  }
0x1bd: {  	s21 =	sadd.s32 $0xFFFFFFF4, s1;
	v1 =	vld.idx.msk [tilespmem:v3+s26+$0x0], $0xffff  }
0x1be: {  	v3 =	vadd.s32 s21, v0  }
0x1bf: {  	s31 =	sadd.s32 $0xFFFFFFF5, s1;
	v2 =	vld.idx.msk [tilespmem:v2+s26+$0x0], $0xffff  }
0x1c0: {  	v5 =	vadd.s32 s31, v0  }
0x1c1: {  	s16 =	sadd.s32 $0xFFFFFFF6, s1;
	v4 =	vld.idx.msk [tilespmem:v4+s26+$0x0], $0xffff  }
0x1c2: {  	v6 =	vadd.s32 s16, v0;
	v1 =	vadd.f32 $0.0e+00, v1  }
0x1c3: {  	s18 =	sadd.s32 $0xFFFFFFF7, s1;
	v3 =	vld.idx.msk [tilespmem:v3+s26+$0x0], $0xffff  }
0x1c4: {  	v7 =	vadd.s32 s18, v0;
	v1 =	vadd.f32 v2, v1  }
0x1c5: {  	s20 =	sadd.s32 $0xFFFFFFF8, s1;
	v2 =	vld.idx.msk [tilespmem:v5+s26+$0x0], $0xffff  }
0x1c6: {  	v51 =	vadd.s32 s20, v0;
	v1 =	vadd.f32 v4, v1  }
0x1c7: {  	s21 =	sadd.s32 $0xFFFFFFF9, s1;
	v52 =	vld.idx.msk [tilespmem:v6+s26+$0x0], $0xffff  }
0x1c8: {  	v53 =	vadd.s32 s21, v0;
	v1 =	vadd.f32 v3, v1  }
0x1c9: {  	s31 =	sadd.s32 $0xFFFFFFFA, s1;
	v3 =	vld.idx.msk [tilespmem:v7+s26+$0x0], $0xffff  }
0x1ca: {  	v54 =	vadd.s32 s31, v0;
	v1 =	vadd.f32 v2, v1  }
0x1cb: {  	s16 =	sadd.s32 $0xFFFFFFFB, s1;
	v2 =	vld.idx.msk [tilespmem:v51+s26+$0x0], $0xffff  }
0x1cc: {  	v55 =	vadd.s32 s16, v0;
	v1 =	vadd.f32 v52, v1  }
0x1cd: {  	s18 =	sadd.s32 $0xFFFFFFFC, s1;
	v56 =	vld.idx.msk [tilespmem:v53+s26+$0x0], $0xffff  }
0x1ce: {  	v57 =	vadd.s32 s18, v0;
	v1 =	vadd.f32 v3, v1  }
0x1cf: {  	s20 =	sadd.s32 $0xFFFFFFFD, s1;
	v3 =	vld.idx.msk [tilespmem:v54+s26+$0x0], $0xffff  }
0x1d0: {  	v58 =	vadd.s32 s20, v0;
	v1 =	vadd.f32 v2, v1  }
0x1d1: {  	s21 =	sadd.s32 $0xFFFFFFFE, s1;
	v2 =	vld.idx.msk [tilespmem:v55+s26+$0x0], $0xffff  }
0x1d2: {  	v59 =	vadd.s32 s21, v0;
	v1 =	vadd.f32 v56, v1  }
0x1d3: {  	s31 =	sadd.s32 $0xFFFFFFFF, s1;
	v60 =	vld.idx.msk [tilespmem:v57+s26+$0x0], $0xffff  }
0x1d4: {  	v61 =	vadd.s32 s31, v0;
	v1 =	vadd.f32 v3, v1  }
0x1d5: {  	v3 =	vld.idx.msk [tilespmem:v58+s26+$0x0], $0xffff  }
0x1d6: {  	v62 =	vadd.s32 s1, v0;
	v1 =	vadd.f32 v2, v1  }
0x1d7: {  	v2 =	vld.idx.msk [tilespmem:v59+s26+$0x0], $0xffff  }
0x1d8: {  	v1 =	vadd.f32 v60, v1  }
0x1d9: {  	v63 =	vld.idx.msk [tilespmem:v61+s26+$0x0], $0xffff  }
0x1da: {  	v1 =	vadd.f32 v3, v1  }
0x1db: {  	v3 =	vld.idx.msk [tilespmem:v62+s26+$0x0], $0xffff  }
0x1dc: {  	v1 =	vadd.f32 v2, v1;
	_ =	sdelay $0x1  }
0x1dd: {  	v1 =	vadd.f32 v63, v1;
	_ =	sdelay $0x1  }
0x1de: {  	v1 =	vadd.f32 v3, v1;
	_ =	sdelay $0x1  }
0x1df: {  	s30 =	sadd.s32 $0x1, s30;
	v1 =	vsub.f32 $1.200000000e+01, v1  }
0x1e0: {  	p0 =	sne.s32 s30, s9;
	s0 =	sadd.s32 $0x10, s0  }
.Ltmp3:
0x1e1: {  	[tilespmem:s0+$0x0] =	vst v1;
	(pc) =	sbr.rel @p0 .LBB2_1-.Ltmp3, $4  }
0x1e2: {  	[hbm4b:s8+s4] =	stream.linear.scatter [tilespmem:s28], [sflag:$0x6], $0x80, $0x38;
	[tilespmem:$0xCA80] =	vst v63  }
0x1e3: {  	_ =	swait.ge [sflag:s29], $0x80  }
0x1e4: {  	[sflag:s29] =	ssyncset.done $0x0  }
0x1e5: {  	[sflag:s29] =	ssyncadd.s32 $0xFFFFFF80  }
0x1e6: {  	_ =	sfence.sel $0x180000  }
0x1e7: {  	[bflag:$0x0] =	sbarrier.arrive $0xFFFF  }
0x1e8: {  	_ =	strace $0x90000047  }
0x1e9: {  	s0 =	stileid.u32;
	[bflag:$0x2] =	sbarrier.arrive $0xFFFF  }
0x1ea: {  	p0 =	sne.s32 s0, $0x0;
	s0 =	rddreg [dreg:$0x4]  }
0x1eb: {  	s0 =	sadd.s32 @!p0 $0x100000, s0  }
0x1ec: {  	[sflag:s0] =	ssyncadd.tile.s32 @!p0 $0x1;
	_ =	shalt  }
.Lfunc_end2:
_tile_overlayer_lowered:
.L_overlay_start_2:
0x1ed: {  	(tag) =	ssettag $0x2  }
0x1ee: {  	s0 =	rddreg [dreg:$0x0];
	s2 =	stileid.u32  }
0x1ef: {  	s1 =	rddreg [dreg:$0x1];
	p0 =	sne.s32 s2, $0x0  }
0x1f0: {  	s3 =	rddreg [dreg:$0x2];
	[bflag:$0x3] =	sbarrier.arrive $0xFFFF;
	s2 =	simm.s32 @!p0 $0x1C06  }
0x1f1: {  	[timem:s3], [sflag:s2] =	dma.local @!p0 [hbm:s0], s1  }
0x1f2: {  	s0 =	simm.s32 @!p0 $0x6  }
0x1f3: {  	_ =	swait.ge @!p0 [sflag:s0], s1  }
0x1f4: {  	s1 =	ssub.s32 @!p0 $0x0, s1;
	[sflag:s0] =	ssyncset.done @!p0 $0x0  }
0x1f5: {  	[sflag:s0] =	ssyncadd.s32 @!p0 s1  }
0x1f6: {  	[bflag:$0x3] =	sbarrier.arrive $0xFFFF  }
0x1f7: {  	_ =	shalt  }

</sc_bundles>
